<compile_context>
chip_gen: v7x
topology: tpu7x:2x2x1
jax: 0.10.2.dev20260603
libtpu: 0.0.44.dev20260713+nightly
codegen_flags: <defaults>
</compile_context>

<pallas_src>
import jax
import jax.numpy as jnp
import numpy as np
from jax import lax
from jax.experimental import pallas as pl
from jax.experimental.pallas import tpu as pltpu
from jax.experimental.pallas import tpu_sc as plsc

N = 10000
EMB = 128
CAT = 768
NBINS = 100
BSZ = 1024
NNEG = 4

RB = 400
NB = N // RB
NGATHER = BSZ * (2 + NNEG)

_F32 = jnp.float32


def _item_body(f_ref, p_ref, wc2_ref, wc3_ref, we_ref, bc2_ref, bc3_ref,
               be_ref, ep_ref, item_ref, s_ref, wf_s, pf_s, b_s, acc_s):
    i = pl.program_id(0)

    @pl.when(i == 0)
    def _():
        we1 = we_ref[0:EMB, :]
        we2 = we_ref[EMB:2 * EMB, :]
        we3 = we_ref[2 * EMB:3 * EMB, :]
        wf_s[0:CAT, :] = jnp.dot(wc2_ref[...], we1, preferred_element_type=_F32)
        wf_s[CAT:2 * CAT, :] = jnp.dot(wc3_ref[...], we2, preferred_element_type=_F32)
        pf_s[...] = jnp.dot(ep_ref[...], we3, preferred_element_type=_F32)
        b_s[...] = (jnp.dot(bc2_ref[...], we1, preferred_element_type=_F32)
                    + jnp.dot(bc3_ref[...], we2, preferred_element_type=_F32)
                    + be_ref[...])
        acc_s[...] = jnp.zeros_like(acc_s)

    onehot = (p_ref[...] == lax.broadcasted_iota(jnp.int32, (RB, 128), 1)).astype(_F32)
    x = jnp.dot(f_ref[...], wf_s[...], preferred_element_type=_F32)
    x = x + jnp.dot(onehot, pf_s[...], preferred_element_type=_F32) + b_s[...]
    it = jnp.maximum(x, 0.0)
    item_ref[...] = it
    acc_s[...] += jnp.sum(it, axis=0, keepdims=True)

    @pl.when(i == NB - 1)
    def _():
        s_ref[...] = acc_s[...]


def _item_call(features, pricei, wc2, wc3, we, bc2, bc3, be, ep_pad):
    return pl.pallas_call(
        _item_body,
        grid=(NB,),
        in_specs=[
            pl.BlockSpec((RB, 2 * CAT), lambda i: (i, 0)),
            pl.BlockSpec((RB, 1), lambda i: (i, 0)),
            pl.BlockSpec((CAT, EMB), lambda i: (0, 0)),
            pl.BlockSpec((CAT, EMB), lambda i: (0, 0)),
            pl.BlockSpec((3 * EMB, EMB), lambda i: (0, 0)),
            pl.BlockSpec((1, EMB), lambda i: (0, 0)),
            pl.BlockSpec((1, EMB), lambda i: (0, 0)),
            pl.BlockSpec((1, EMB), lambda i: (0, 0)),
            pl.BlockSpec((128, EMB), lambda i: (0, 0)),
        ],
        out_specs=[
            pl.BlockSpec((RB, EMB), lambda i: (i, 0)),
            pl.BlockSpec((1, EMB), lambda i: (0, 0)),
        ],
        out_shape=[
            jax.ShapeDtypeStruct((N, EMB), _F32),
            jax.ShapeDtypeStruct((1, EMB), _F32),
        ],
        scratch_shapes=[
            pltpu.VMEM((2 * CAT, EMB), _F32),
            pltpu.VMEM((128, EMB), _F32),
            pltpu.VMEM((1, EMB), _F32),
            pltpu.VMEM((1, EMB), _F32),
        ],
    )(features, pricei, wc2, wc3, we, bc2, bc3, be, ep_pad)


W2 = 1024
NK2 = (N + W2 - 1) // W2
LASTW2 = N - (NK2 - 1) * W2
NPAD = NK2 * W2
RB2 = 2000
NG2 = N // RB2
GPB = RB2 // RB
_BF = jnp.bfloat16


def _p1_width(i2):
    return (RB2 * i2 // W2) * W2


def _p1_body(adj_ref, x_ref, t1_ref, t2p_ref, s1_ref, t1b_ref, s1_s):
    i = pl.program_id(0)
    acc1 = jnp.dot(adj_ref[...].astype(_BF), x_ref[...].astype(_BF),
                   preferred_element_type=_F32)
    t1_ref[...] = acc1
    t1b_ref[pl.ds(i * RB, RB), :] = acc1.astype(_BF)
    cs = jnp.sum(acc1, axis=0, keepdims=True)
    s1_s[...] = jnp.where(i == 0, cs, s1_s[...] + cs)

    @pl.when(i == NB - 1)
    def _():
        s1_ref[...] = s1_s[...]
        t1b_ref[N:NPAD, :] = jnp.zeros((NPAD - N, EMB), _BF)

    i2 = i // GPB

    @pl.when(i2 == 0)
    def _():
        t2p_ref[...] = jnp.zeros((RB, EMB), _F32)

    for gidx in range(1, NG2):
        wdt = _p1_width(gidx)

        @pl.when(i2 == gidx)
        def _():
            t2p_ref[...] = jnp.dot(adj_ref[:, 0:wdt].astype(_BF),
                                   t1b_ref[0:wdt, :],
                                   preferred_element_type=_F32)


def _p1_call(adj, x):
    return pl.pallas_call(
        _p1_body,
        grid=(NB,),
        in_specs=[
            pl.BlockSpec((RB, N), lambda i: (i, 0)),
            pl.BlockSpec((N, EMB), lambda i: (0, 0)),
        ],
        out_specs=[
            pl.BlockSpec((RB, EMB), lambda i: (i, 0)),
            pl.BlockSpec((RB, EMB), lambda i: (i, 0)),
            pl.BlockSpec((1, EMB), lambda i: (0, 0)),
            pl.BlockSpec((NPAD, EMB), lambda i: (0, 0)),
        ],
        out_shape=[
            jax.ShapeDtypeStruct((N, EMB), _F32),
            jax.ShapeDtypeStruct((N, EMB), _F32),
            jax.ShapeDtypeStruct((1, EMB), _F32),
            jax.ShapeDtypeStruct((NPAD, EMB), _BF),
        ],
        scratch_shapes=[
            pltpu.VMEM((1, EMB), _F32),
        ],
    )(adj, x)


def _build_p2_sched():
    steps = []
    for i2 in range(NG2):
        ks = list(range(_p1_width(i2) // W2, NK2))
        for n, k in enumerate(ks):
            fl = ((1 if n == 0 else 0)
                  | (2 if n == len(ks) - 1 else 0)
                  | (4 if k == NK2 - 1 else 0))
            steps.append((i2, k, fl))
    arr = np.asarray(steps, dtype=np.int32)
    return arr[:, 0], arr[:, 1], arr[:, 2]


_I2A, _K2A, _FL2 = _build_p2_sched()
_NP2 = len(_I2A)


def _p2_body(i2_ref, k_ref, fl_ref, adj_ref, t1p_ref, t2in_ref,
             t2_ref, s2_ref, acc_s, s2_s):
    g = pl.program_id(0)
    k = k_ref[g]
    fl = fl_ref[g]

    @pl.when(g == 0)
    def _():
        s2_s[...] = jnp.zeros_like(s2_s)

    @pl.when((fl & 1) != 0)
    def _():
        acc_s[...] = t2in_ref[...]

    @pl.when((fl & 4) == 0)
    def _():
        acc_s[...] += jnp.dot(adj_ref[...].astype(_BF),
                              t1p_ref[pl.ds(k * W2, W2), :],
                              preferred_element_type=_F32)

    @pl.when((fl & 4) != 0)
    def _():
        am = jnp.where(lax.broadcasted_iota(jnp.int32, (RB2, W2), 1) < LASTW2,
                       adj_ref[...], 0.0)
        acc_s[...] += jnp.dot(am.astype(_BF), t1p_ref[pl.ds(k * W2, W2), :],
                              preferred_element_type=_F32)

    @pl.when((fl & 2) != 0)
    def _():
        t2_ref[...] = acc_s[...]
        s2_s[...] += jnp.sum(acc_s[...], axis=0, keepdims=True)

    @pl.when(g == _NP2 - 1)
    def _():
        s2_ref[...] = s2_s[...]


def _p2_call(adj, t1pad, t2p):
    grid_spec = pltpu.PrefetchScalarGridSpec(
        num_scalar_prefetch=3,
        grid=(_NP2,),
        in_specs=[
            pl.BlockSpec((RB2, W2), lambda g, ia, ka, fl: (ia[g], ka[g])),
            pl.BlockSpec((NPAD, EMB), lambda g, ia, ka, fl: (0, 0)),
            pl.BlockSpec((RB2, EMB), lambda g, ia, ka, fl: (ia[g], 0)),
        ],
        out_specs=[
            pl.BlockSpec((RB2, EMB), lambda g, ia, ka, fl: (ia[g], 0)),
            pl.BlockSpec((1, EMB), lambda g, ia, ka, fl: (0, 0)),
        ],
        scratch_shapes=[
            pltpu.VMEM((RB2, EMB), _F32),
            pltpu.VMEM((1, EMB), _F32),
        ],
    )
    return pl.pallas_call(
        _p2_body,
        grid_spec=grid_spec,
        out_shape=[
            jax.ShapeDtypeStruct((N, EMB), _F32),
            jax.ShapeDtypeStruct((1, EMB), _F32),
        ],
    )(jnp.asarray(_I2A), jnp.asarray(_K2A), jnp.asarray(_FL2), adj, t1pad, t2p)


def _gc_body(t1_ref, t2_ref, it_ref, s1_ref, s2_ref, si_ref,
             wl_ref, wm_ref, g1_ref, be1_ref, g2_ref, be2_ref,
             wct_ref, wcb_ref, bcat_ref,
             a_ref, b_ref, c_ref, mu_s, glp_s, gmp_s):
    i = pl.program_id(0)
    ninv = 1.0 / N

    @pl.when(i == 0)
    def _():
        mu_s[0:1, :] = 0.5 * (s1_ref[...] + si_ref[...]) * ninv
        mu_s[1:2, :] = 0.5 * (s2_ref[...] - si_ref[...]) * ninv
        glp_s[...] = jnp.zeros_like(glp_s)
        gmp_s[...] = jnp.zeros_like(gmp_s)

    t1 = t1_ref[...]
    t2 = t2_ref[...]
    it = it_ref[...]
    lpc = 0.5 * (t1 + it) - mu_s[0:1, :]
    mpc = 0.5 * (t2 - it) - mu_s[1:2, :]
    dn = (((0,), (0,)), ((), ()))
    lpc = lpc.astype(jnp.bfloat16)
    mpc = mpc.astype(jnp.bfloat16)
    glp_s[...] += lax.dot_general(lpc, lpc, dn, preferred_element_type=_F32)
    gmp_s[...] += lax.dot_general(mpc, mpc, dn, preferred_element_type=_F32)

    @pl.when(i == NB - 1)
    def _():
        mu_lp = mu_s[0:1, :]
        mu_mp = mu_s[1:2, :]
        wl = wl_ref[...]
        wm = wm_ref[...]
        m1 = jnp.dot(mu_lp, wl, preferred_element_type=_F32)
        var1 = jnp.sum(jnp.dot(glp_s[...], wl, preferred_element_type=_F32) * wl,
                       axis=0, keepdims=True) * ninv
        a1 = g1_ref[...] / jnp.sqrt(var1 + 1e-5)
        m2 = jnp.dot(mu_mp, wm, preferred_element_type=_F32)
        var2 = jnp.sum(jnp.dot(gmp_s[...], wm, preferred_element_type=_F32) * wm,
                       axis=0, keepdims=True) * ninv
        a2 = g2_ref[...] / jnp.sqrt(var2 + 1e-5)
        wct = wct_ref[...]
        wcb = wcb_ref[...]
        a_ref[...] = 0.5 * jnp.dot(wl * a1, wct, preferred_element_type=_F32)
        b_ref[...] = 0.5 * jnp.dot(wm * a2, wcb, preferred_element_type=_F32)
        c_ref[...] = (jnp.dot(be1_ref[...] - m1 * a1, wct, preferred_element_type=_F32)
                      + jnp.dot(be2_ref[...] - m2 * a2, wcb, preferred_element_type=_F32)
                      + bcat_ref[...])


def _gc_call(t1, t2, item, s1, s2, si, wl, wm, g1, be1, g2, be2, wct, wcb, bcat):
    blk = pl.BlockSpec((RB, EMB), lambda i: (i, 0))
    vec = pl.BlockSpec((1, EMB), lambda i: (0, 0))
    small = pl.BlockSpec((EMB, EMB), lambda i: (0, 0))
    return pl.pallas_call(
        _gc_body,
        grid=(NB,),
        in_specs=[blk, blk, blk, vec, vec, vec,
                  small, small, vec, vec, vec, vec, small, small, vec],
        out_specs=[small, small, vec],
        out_shape=[
            jax.ShapeDtypeStruct((EMB, EMB), _F32),
            jax.ShapeDtypeStruct((EMB, EMB), _F32),
            jax.ShapeDtypeStruct((1, EMB), _F32),
        ],
        scratch_shapes=[
            pltpu.VMEM((2, EMB), _F32),
            pltpu.VMEM((EMB, EMB), _F32),
            pltpu.VMEM((EMB, EMB), _F32),
        ],
    )(t1, t2, item, s1, s2, si, wl, wm, g1, be1, g2, be2, wct, wcb, bcat)


_SC_INFO = plsc.get_sparse_core_info()
_NW = _SC_INFO.num_cores * _SC_INFO.num_subcores
_BPW = NGATHER // _NW
_CH = 96


def _make_sc_gather(ntab):
    def body(*refs):
        tables = refs[:ntab]
        idx_hbm = refs[ntab]
        outs = refs[ntab + 1:2 * ntab + 1]
        idx_v, rows_v, sem = refs[2 * ntab + 1:]
        wid = lax.axis_index("s") * _SC_INFO.num_cores + lax.axis_index("c")
        base = wid * _BPW
        for ci in range(_BPW // _CH):
            off = base + ci * _CH
            pltpu.sync_copy(idx_hbm.at[pl.ds(off, _CH)], idx_v)
            for tab, out in zip(tables, outs):
                pltpu.async_copy(tab.at[idx_v], rows_v, sem).wait()
                pltpu.sync_copy(rows_v, out.at[pl.ds(off, _CH)])

    return pl.kernel(
        body,
        mesh=plsc.VectorSubcoreMesh(core_axis_name="c", subcore_axis_name="s"),
        out_type=[jax.ShapeDtypeStruct((NGATHER, EMB), _F32)] * ntab,
        scratch_types=[
            pltpu.VMEM((_CH,), jnp.int32),
            pltpu.VMEM((_CH, EMB), _F32),
            pltpu.SemaphoreType.DMA,
        ],
    )


_sc_gather2 = _make_sc_gather(2)
_sc_gather1 = _make_sc_gather(1)


def _loss_body(t1g_ref, t2g_ref, ig_ref, a_ref, b_ref, c_ref, out_ref):
    ig = ig_ref[...]
    og = (jnp.dot(t1g_ref[...] + ig, a_ref[...], preferred_element_type=_F32)
          + jnp.dot(t2g_ref[...] - ig, b_ref[...], preferred_element_type=_F32)
          + c_ref[...])
    key = og[0:BSZ]
    pos = og[BSZ:2 * BSZ]
    ps = jnp.sum(key * pos, axis=1, keepdims=True)
    acc = jnp.zeros((1, 1), _F32)
    for k in range(NNEG):
        ns = jnp.sum(key * og[(2 + k) * BSZ:(3 + k) * BSZ], axis=1, keepdims=True)
        x = ps - ns
        sig = 1.0 / (1.0 + jnp.exp(-x))
        acc = acc + jnp.sum(jnp.log(sig + 1e-9))
    out_ref[...] = -acc / (BSZ * NNEG)


def _loss_call(t1g, t2g, ig, a, b, c):
    return pl.pallas_call(
        _loss_body,
        out_shape=jax.ShapeDtypeStruct((1, 1), _F32),
    )(t1g, t2g, ig, a, b, c)


def kernel(features, price, adj, train_set, W_cid2, b_cid2, W_cid3, b_cid3,
           emb_price, W_emb, b_emb, W_low, W_mid, g1, be1, g2, be2,
           W_cat, b_cat):
    pricei = price.reshape(N, 1)
    ep_pad = jnp.pad(emb_price, ((0, 128 - NBINS), (0, 0)))
    r = lambda v: v.reshape(1, EMB)

    item, s_it = _item_call(features, pricei, W_cid2, W_cid3, W_emb,
                            r(b_cid2), r(b_cid3), r(b_emb), ep_pad)
    t1, t2p, s1, t1b = _p1_call(adj, item)
    t2, s2 = _p2_call(adj, t1b, t2p)
    a, b, c = _gc_call(t1, t2, item, s1, s2, s_it, W_low, W_mid,
                       r(g1), r(be1), r(g2), r(be2),
                       W_cat[:EMB], W_cat[EMB:], r(b_cat))
    idx = train_set.T.reshape(-1)
    t1g, ig = _sc_gather2(t1, item, idx)
    t2g, = _sc_gather1(t2, idx)
    loss = _loss_call(t1g, t2g, ig, a, b, c)
    return loss.reshape(())

# --- scband reference (transcript-rebuilt; emitter-appended) ---
"""Pipeline reference for scband-scom-gnn-40218073759806 (READ-ONLY COPY).

The authoritative reference and input builder live on the scoring server;
editing this copy changes nothing except your own understanding.
"""

import jax, jax.numpy as jnp
import numpy as np

N = 10000
EMB = 128
CAT = 768
NBINS = 100
B = 1024
NNEG = 4


def _bn(x, g, b):
    m = jnp.mean(x, axis=0)
    v = jnp.var(x, axis=0)
    return (x - m) / jnp.sqrt(v + 1e-5) * g + b


def setup_inputs(seed: int = 0) -> dict:
    key = jax.random.key(seed)
    ks = jax.random.split(key, 24)
    s = 1.0 / np.sqrt(EMB)
    inp = {}
    inp["features"] = jax.random.normal(ks[0], (N, 2 * CAT), dtype=jnp.float32)
    inp["price"] = jax.random.randint(ks[1], (N,), 0, NBINS)
    inp["adj"] = jax.random.uniform(ks[2], (N, N), dtype=jnp.float32)
    inp["train_set"] = jax.random.randint(ks[3], (B, 2 + NNEG), 0, N)
    inp["W_cid2"] = jax.random.uniform(ks[4], (CAT, EMB), dtype=jnp.float32, minval=-s, maxval=s)
    inp["b_cid2"] = jax.random.uniform(ks[5], (EMB,), dtype=jnp.float32, minval=-s, maxval=s)
    inp["W_cid3"] = jax.random.uniform(ks[6], (CAT, EMB), dtype=jnp.float32, minval=-s, maxval=s)
    inp["b_cid3"] = jax.random.uniform(ks[7], (EMB,), dtype=jnp.float32, minval=-s, maxval=s)
    inp["emb_price"] = jax.random.normal(ks[8], (NBINS, EMB), dtype=jnp.float32)
    inp["W_emb"] = jax.random.uniform(ks[9], (3 * EMB, EMB), dtype=jnp.float32, minval=-s, maxval=s)
    inp["b_emb"] = jax.random.uniform(ks[10], (EMB,), dtype=jnp.float32, minval=-s, maxval=s)
    inp["W_low"] = jax.random.uniform(ks[11], (EMB, EMB), dtype=jnp.float32, minval=-s, maxval=s)
    inp["W_mid"] = jax.random.uniform(ks[12], (EMB, EMB), dtype=jnp.float32, minval=-s, maxval=s)
    inp["g1"] = jnp.ones((EMB,), dtype=jnp.float32)
    inp["be1"] = jnp.zeros((EMB,), dtype=jnp.float32)
    inp["g2"] = jnp.ones((EMB,), dtype=jnp.float32)
    inp["be2"] = jnp.zeros((EMB,), dtype=jnp.float32)
    inp["W_cat"] = jax.random.uniform(ks[13], (2 * EMB, EMB), dtype=jnp.float32, minval=-s, maxval=s)
    inp["b_cat"] = jax.random.uniform(ks[14], (EMB,), dtype=jnp.float32, minval=-s, maxval=s)
    return inp


def reference(features, price, adj, train_set, W_cid2, b_cid2, W_cid3, b_cid3, emb_price, W_emb, b_emb, W_low, W_mid, g1, be1, g2, be2, W_cat, b_cat):
    cid2 = features[:, :CAT]
    cid3 = features[:, CAT:]
    e2 = cid2 @ W_cid2 + b_cid2
    e3 = cid3 @ W_cid3 + b_cid3
    ep = jnp.take(emb_price, price, axis=0)
    item = jax.nn.relu(jnp.concatenate([e2, e3, ep], axis=1) @ W_emb + b_emb)
    low = adj @ item
    low = 0.5 * low + 0.5 * item
    low = low @ W_low
    mid = adj @ (adj @ item)
    mid = 0.5 * mid - 0.5 * item
    mid = mid @ W_mid
    low = _bn(low, g1, be1)
    mid = _bn(mid, g2, be2)
    out = jnp.concatenate([low, mid], axis=1) @ W_cat + b_cat
    key_emb = out[train_set[:, 0]]
    pos_emb = out[train_set[:, 1]]
    neg_emb = out[train_set[:, 2:]]
    pos_scores = jnp.sum(key_emb * pos_emb, axis=1)
    neg_scores = jnp.sum(key_emb[:, None, :] * neg_emb, axis=2)
    loss = -jnp.mean(jnp.log(jax.nn.sigmoid(pos_scores[:, None] - neg_scores) + 1e-9))
    return loss

if __name__ == "__main__":
    import jax
    _d = setup_inputs()
    print(jax.jit(kernel)(*tuple(_d.values())))

</pallas_src>

<mosaic_0001>
#map = affine_map<(d0, d1) -> (0, 0)>
#map1 = affine_map<(d0, d1) -> (0)>
module attributes {stable_mosaic.version = 14 : i64} {
  func.func @body(%arg0: i32, %arg1: i32, %arg2: memref<10000x128xf32, #tpu.memory_space<hbm>>, %arg3: memref<10000x128xf32, #tpu.memory_space<hbm>>, %arg4: memref<6144xi32, #tpu.memory_space<hbm>>, %arg5: memref<6144x128xf32, #tpu.memory_space<hbm>>, %arg6: memref<6144x128xf32, #tpu.memory_space<hbm>>, %arg7: memref<96xi32, #tpu.memory_space<vmem>>, %arg8: memref<96x128xf32, #tpu.memory_space<vmem>>, %arg9: memref<!tpu.dma_semaphore, #tpu.memory_space<semaphore_mem>>) attributes {dimension_semantics = [#tpu.dimension_semantics<core_parallel>, #tpu.dimension_semantics<subcore_parallel>], iteration_bounds = array<i64: 2, 16>, scalar_prefetch = 0 : i64, scratch_operands = 3 : i64, tpu.core_type = #tpu.core_type<sc_vector_subcore>, window_params = [{transform_indices = #map}, {transform_indices = #map}, {transform_indices = #map1}, {transform_indices = #map}, {transform_indices = #map}]} {
    %mul3A = arith.constant 2 : i32
    %mul3A_0 = arith.muli %arg1, %mul3A : i32
    %add3A = arith.addi %mul3A_0, %arg0 : i32
    %mul3A_1 = arith.constant 192 : i32
    %mul3A_2 = arith.muli %add3A, %mul3A_1 : i32
    %add3A_3 = arith.constant 0 : i32
    %add3A_4 = arith.addi %mul3A_2, %add3A_3 : i32
    "tpu.region"() ({
      %run_scoped3A = tpu.sem_alloc : memref<!tpu.dma_semaphore, #tpu.memory_space<semaphore_mem>>
      %dma_start3A_29 = tpu.memref_slice %arg4[%add3A_4] : memref<6144xi32, #tpu.memory_space<hbm>> -> memref<96xi32, #tpu.memory_space<hbm>>
      %dma_start3A_30 = tpu.memref_slice %arg4[%add3A_4] : memref<6144xi32, #tpu.memory_space<hbm>> -> memref<96xi32, #tpu.memory_space<hbm>>
      tpu.enqueue_dma source(%dma_start3A_30 : memref<96xi32, #tpu.memory_space<hbm>>) target(%arg7 : memref<96xi32, #tpu.memory_space<vmem>>) target_semaphore(%run_scoped3A : memref<!tpu.dma_semaphore, #tpu.memory_space<semaphore_mem>>)
      %dma_wait3A_31 = tpu.memref_slice %arg4[%add3A_4] : memref<6144xi32, #tpu.memory_space<hbm>> -> memref<96xi32, #tpu.memory_space<hbm>>
      %dma_wait3A_32 = tpu.memref_slice %arg4[%add3A_4] : memref<6144xi32, #tpu.memory_space<hbm>> -> memref<96xi32, #tpu.memory_space<hbm>>
      tpu.wait_dma2 semaphore(%run_scoped3A : memref<!tpu.dma_semaphore, #tpu.memory_space<semaphore_mem>>) src(%dma_wait3A_32 : memref<96xi32, #tpu.memory_space<hbm>>) dst(%arg7 : memref<96xi32, #tpu.memory_space<vmem>>)
      tpu.yield
    }) : () -> ()
    %dma_start3A = arith.constant 0 : i32
    %dma_start3A_5 = arith.constant 0 : i32
    %dma_start3A_6 = tpu.memref_slice %arg2[%dma_start3A, %dma_start3A_5] : memref<10000x128xf32, #tpu.memory_space<hbm>> -> memref<10000x128xf32, #tpu.memory_space<hbm>>
    tpu.enqueue_indirect_dma source(%dma_start3A_6 : memref<10000x128xf32, #tpu.memory_space<hbm>>) target(%arg8 : memref<96x128xf32, #tpu.memory_space<vmem>>) offsets(%arg7 : memref<96xi32, #tpu.memory_space<vmem>>) semaphore(%arg9 : memref<!tpu.dma_semaphore, #tpu.memory_space<semaphore_mem>>)
    %dma_wait3A = arith.constant 0 : i32
    %dma_wait3A_7 = arith.constant 0 : i32
    %dma_wait3A_8 = tpu.memref_slice %arg2[%dma_wait3A, %dma_wait3A_7] : memref<10000x128xf32, #tpu.memory_space<hbm>> -> memref<10000x128xf32, #tpu.memory_space<hbm>>
    tpu.wait_indirect_dma semaphore(%arg9 : memref<!tpu.dma_semaphore, #tpu.memory_space<semaphore_mem>>) src(%dma_wait3A_8 : memref<10000x128xf32, #tpu.memory_space<hbm>>) dst(%arg8 : memref<96x128xf32, #tpu.memory_space<vmem>>)
    "tpu.region"() ({
      %run_scoped3A = tpu.sem_alloc : memref<!tpu.dma_semaphore, #tpu.memory_space<semaphore_mem>>
      %dma_start3A_29 = arith.constant 0 : i32
      %dma_start3A_30 = tpu.memref_slice %arg5[%add3A_4, %dma_start3A_29] : memref<6144x128xf32, #tpu.memory_space<hbm>> -> memref<96x128xf32, #tpu.memory_space<hbm>>
      %dma_start3A_31 = arith.constant 0 : i32
      %dma_start3A_32 = tpu.memref_slice %arg5[%add3A_4, %dma_start3A_31] : memref<6144x128xf32, #tpu.memory_space<hbm>> -> memref<96x128xf32, #tpu.memory_space<hbm>>
      tpu.enqueue_dma source(%arg8 : memref<96x128xf32, #tpu.memory_space<vmem>>) target(%dma_start3A_32 : memref<96x128xf32, #tpu.memory_space<hbm>>) target_semaphore(%run_scoped3A : memref<!tpu.dma_semaphore, #tpu.memory_space<semaphore_mem>>)
      %dma_wait3A_33 = arith.constant 0 : i32
      %dma_wait3A_34 = tpu.memref_slice %arg5[%add3A_4, %dma_wait3A_33] : memref<6144x128xf32, #tpu.memory_space<hbm>> -> memref<96x128xf32, #tpu.memory_space<hbm>>
      %dma_wait3A_35 = arith.constant 0 : i32
      %dma_wait3A_36 = tpu.memref_slice %arg5[%add3A_4, %dma_wait3A_35] : memref<6144x128xf32, #tpu.memory_space<hbm>> -> memref<96x128xf32, #tpu.memory_space<hbm>>
      tpu.wait_dma2 semaphore(%run_scoped3A : memref<!tpu.dma_semaphore, #tpu.memory_space<semaphore_mem>>) src(%arg8 : memref<96x128xf32, #tpu.memory_space<vmem>>) dst(%dma_wait3A_36 : memref<96x128xf32, #tpu.memory_space<hbm>>)
      tpu.yield
    }) : () -> ()
    %dma_start3A_9 = arith.constant 0 : i32
    %dma_start3A_10 = arith.constant 0 : i32
    %dma_start3A_11 = tpu.memref_slice %arg3[%dma_start3A_9, %dma_start3A_10] : memref<10000x128xf32, #tpu.memory_space<hbm>> -> memref<10000x128xf32, #tpu.memory_space<hbm>>
    tpu.enqueue_indirect_dma source(%dma_start3A_11 : memref<10000x128xf32, #tpu.memory_space<hbm>>) target(%arg8 : memref<96x128xf32, #tpu.memory_space<vmem>>) offsets(%arg7 : memref<96xi32, #tpu.memory_space<vmem>>) semaphore(%arg9 : memref<!tpu.dma_semaphore, #tpu.memory_space<semaphore_mem>>)
    %dma_wait3A_12 = arith.constant 0 : i32
    %dma_wait3A_13 = arith.constant 0 : i32
    %dma_wait3A_14 = tpu.memref_slice %arg3[%dma_wait3A_12, %dma_wait3A_13] : memref<10000x128xf32, #tpu.memory_space<hbm>> -> memref<10000x128xf32, #tpu.memory_space<hbm>>
    tpu.wait_indirect_dma semaphore(%arg9 : memref<!tpu.dma_semaphore, #tpu.memory_space<semaphore_mem>>) src(%dma_wait3A_14 : memref<10000x128xf32, #tpu.memory_space<hbm>>) dst(%arg8 : memref<96x128xf32, #tpu.memory_space<vmem>>)
    "tpu.region"() ({
      %run_scoped3A = tpu.sem_alloc : memref<!tpu.dma_semaphore, #tpu.memory_space<semaphore_mem>>
      %dma_start3A_29 = arith.constant 0 : i32
      %dma_start3A_30 = tpu.memref_slice %arg6[%add3A_4, %dma_start3A_29] : memref<6144x128xf32, #tpu.memory_space<hbm>> -> memref<96x128xf32, #tpu.memory_space<hbm>>
      %dma_start3A_31 = arith.constant 0 : i32
      %dma_start3A_32 = tpu.memref_slice %arg6[%add3A_4, %dma_start3A_31] : memref<6144x128xf32, #tpu.memory_space<hbm>> -> memref<96x128xf32, #tpu.memory_space<hbm>>
      tpu.enqueue_dma source(%arg8 : memref<96x128xf32, #tpu.memory_space<vmem>>) target(%dma_start3A_32 : memref<96x128xf32, #tpu.memory_space<hbm>>) target_semaphore(%run_scoped3A : memref<!tpu.dma_semaphore, #tpu.memory_space<semaphore_mem>>)
      %dma_wait3A_33 = arith.constant 0 : i32
      %dma_wait3A_34 = tpu.memref_slice %arg6[%add3A_4, %dma_wait3A_33] : memref<6144x128xf32, #tpu.memory_space<hbm>> -> memref<96x128xf32, #tpu.memory_space<hbm>>
      %dma_wait3A_35 = arith.constant 0 : i32
      %dma_wait3A_36 = tpu.memref_slice %arg6[%add3A_4, %dma_wait3A_35] : memref<6144x128xf32, #tpu.memory_space<hbm>> -> memref<96x128xf32, #tpu.memory_space<hbm>>
      tpu.wait_dma2 semaphore(%run_scoped3A : memref<!tpu.dma_semaphore, #tpu.memory_space<semaphore_mem>>) src(%arg8 : memref<96x128xf32, #tpu.memory_space<vmem>>) dst(%dma_wait3A_36 : memref<96x128xf32, #tpu.memory_space<hbm>>)
      tpu.yield
    }) : () -> ()
    %add3A_15 = arith.constant 96 : i32
    %add3A_16 = arith.addi %mul3A_2, %add3A_15 : i32
    "tpu.region"() ({
      %run_scoped3A = tpu.sem_alloc : memref<!tpu.dma_semaphore, #tpu.memory_space<semaphore_mem>>
      %dma_start3A_29 = tpu.memref_slice %arg4[%add3A_16] : memref<6144xi32, #tpu.memory_space<hbm>> -> memref<96xi32, #tpu.memory_space<hbm>>
      %dma_start3A_30 = tpu.memref_slice %arg4[%add3A_16] : memref<6144xi32, #tpu.memory_space<hbm>> -> memref<96xi32, #tpu.memory_space<hbm>>
      tpu.enqueue_dma source(%dma_start3A_30 : memref<96xi32, #tpu.memory_space<hbm>>) target(%arg7 : memref<96xi32, #tpu.memory_space<vmem>>) target_semaphore(%run_scoped3A : memref<!tpu.dma_semaphore, #tpu.memory_space<semaphore_mem>>)
      %dma_wait3A_31 = tpu.memref_slice %arg4[%add3A_16] : memref<6144xi32, #tpu.memory_space<hbm>> -> memref<96xi32, #tpu.memory_space<hbm>>
      %dma_wait3A_32 = tpu.memref_slice %arg4[%add3A_16] : memref<6144xi32, #tpu.memory_space<hbm>> -> memref<96xi32, #tpu.memory_space<hbm>>
      tpu.wait_dma2 semaphore(%run_scoped3A : memref<!tpu.dma_semaphore, #tpu.memory_space<semaphore_mem>>) src(%dma_wait3A_32 : memref<96xi32, #tpu.memory_space<hbm>>) dst(%arg7 : memref<96xi32, #tpu.memory_space<vmem>>)
      tpu.yield
    }) : () -> ()
    %dma_start3A_17 = arith.constant 0 : i32
    %dma_start3A_18 = arith.constant 0 : i32
    %dma_start3A_19 = tpu.memref_slice %arg2[%dma_start3A_17, %dma_start3A_18] : memref<10000x128xf32, #tpu.memory_space<hbm>> -> memref<10000x128xf32, #tpu.memory_space<hbm>>
    tpu.enqueue_indirect_dma source(%dma_start3A_19 : memref<10000x128xf32, #tpu.memory_space<hbm>>) target(%arg8 : memref<96x128xf32, #tpu.memory_space<vmem>>) offsets(%arg7 : memref<96xi32, #tpu.memory_space<vmem>>) semaphore(%arg9 : memref<!tpu.dma_semaphore, #tpu.memory_space<semaphore_mem>>)
    %dma_wait3A_20 = arith.constant 0 : i32
    %dma_wait3A_21 = arith.constant 0 : i32
    %dma_wait3A_22 = tpu.memref_slice %arg2[%dma_wait3A_20, %dma_wait3A_21] : memref<10000x128xf32, #tpu.memory_space<hbm>> -> memref<10000x128xf32, #tpu.memory_space<hbm>>
    tpu.wait_indirect_dma semaphore(%arg9 : memref<!tpu.dma_semaphore, #tpu.memory_space<semaphore_mem>>) src(%dma_wait3A_22 : memref<10000x128xf32, #tpu.memory_space<hbm>>) dst(%arg8 : memref<96x128xf32, #tpu.memory_space<vmem>>)
    "tpu.region"() ({
      %run_scoped3A = tpu.sem_alloc : memref<!tpu.dma_semaphore, #tpu.memory_space<semaphore_mem>>
      %dma_start3A_29 = arith.constant 0 : i32
      %dma_start3A_30 = tpu.memref_slice %arg5[%add3A_16, %dma_start3A_29] : memref<6144x128xf32, #tpu.memory_space<hbm>> -> memref<96x128xf32, #tpu.memory_space<hbm>>
      %dma_start3A_31 = arith.constant 0 : i32
      %dma_start3A_32 = tpu.memref_slice %arg5[%add3A_16, %dma_start3A_31] : memref<6144x128xf32, #tpu.memory_space<hbm>> -> memref<96x128xf32, #tpu.memory_space<hbm>>
      tpu.enqueue_dma source(%arg8 : memref<96x128xf32, #tpu.memory_space<vmem>>) target(%dma_start3A_32 : memref<96x128xf32, #tpu.memory_space<hbm>>) target_semaphore(%run_scoped3A : memref<!tpu.dma_semaphore, #tpu.memory_space<semaphore_mem>>)
      %dma_wait3A_33 = arith.constant 0 : i32
      %dma_wait3A_34 = tpu.memref_slice %arg5[%add3A_16, %dma_wait3A_33] : memref<6144x128xf32, #tpu.memory_space<hbm>> -> memref<96x128xf32, #tpu.memory_space<hbm>>
      %dma_wait3A_35 = arith.constant 0 : i32
      %dma_wait3A_36 = tpu.memref_slice %arg5[%add3A_16, %dma_wait3A_35] : memref<6144x128xf32, #tpu.memory_space<hbm>> -> memref<96x128xf32, #tpu.memory_space<hbm>>
      tpu.wait_dma2 semaphore(%run_scoped3A : memref<!tpu.dma_semaphore, #tpu.memory_space<semaphore_mem>>) src(%arg8 : memref<96x128xf32, #tpu.memory_space<vmem>>) dst(%dma_wait3A_36 : memref<96x128xf32, #tpu.memory_space<hbm>>)
      tpu.yield
    }) : () -> ()
    %dma_start3A_23 = arith.constant 0 : i32
    %dma_start3A_24 = arith.constant 0 : i32
    %dma_start3A_25 = tpu.memref_slice %arg3[%dma_start3A_23, %dma_start3A_24] : memref<10000x128xf32, #tpu.memory_space<hbm>> -> memref<10000x128xf32, #tpu.memory_space<hbm>>
    tpu.enqueue_indirect_dma source(%dma_start3A_25 : memref<10000x128xf32, #tpu.memory_space<hbm>>) target(%arg8 : memref<96x128xf32, #tpu.memory_space<vmem>>) offsets(%arg7 : memref<96xi32, #tpu.memory_space<vmem>>) semaphore(%arg9 : memref<!tpu.dma_semaphore, #tpu.memory_space<semaphore_mem>>)
    %dma_wait3A_26 = arith.constant 0 : i32
    %dma_wait3A_27 = arith.constant 0 : i32
    %dma_wait3A_28 = tpu.memref_slice %arg3[%dma_wait3A_26, %dma_wait3A_27] : memref<10000x128xf32, #tpu.memory_space<hbm>> -> memref<10000x128xf32, #tpu.memory_space<hbm>>
    tpu.wait_indirect_dma semaphore(%arg9 : memref<!tpu.dma_semaphore, #tpu.memory_space<semaphore_mem>>) src(%dma_wait3A_28 : memref<10000x128xf32, #tpu.memory_space<hbm>>) dst(%arg8 : memref<96x128xf32, #tpu.memory_space<vmem>>)
    "tpu.region"() ({
      %run_scoped3A = tpu.sem_alloc : memref<!tpu.dma_semaphore, #tpu.memory_space<semaphore_mem>>
      %dma_start3A_29 = arith.constant 0 : i32
      %dma_start3A_30 = tpu.memref_slice %arg6[%add3A_16, %dma_start3A_29] : memref<6144x128xf32, #tpu.memory_space<hbm>> -> memref<96x128xf32, #tpu.memory_space<hbm>>
      %dma_start3A_31 = arith.constant 0 : i32
      %dma_start3A_32 = tpu.memref_slice %arg6[%add3A_16, %dma_start3A_31] : memref<6144x128xf32, #tpu.memory_space<hbm>> -> memref<96x128xf32, #tpu.memory_space<hbm>>
      tpu.enqueue_dma source(%arg8 : memref<96x128xf32, #tpu.memory_space<vmem>>) target(%dma_start3A_32 : memref<96x128xf32, #tpu.memory_space<hbm>>) target_semaphore(%run_scoped3A : memref<!tpu.dma_semaphore, #tpu.memory_space<semaphore_mem>>)
      %dma_wait3A_33 = arith.constant 0 : i32
      %dma_wait3A_34 = tpu.memref_slice %arg6[%add3A_16, %dma_wait3A_33] : memref<6144x128xf32, #tpu.memory_space<hbm>> -> memref<96x128xf32, #tpu.memory_space<hbm>>
      %dma_wait3A_35 = arith.constant 0 : i32
      %dma_wait3A_36 = tpu.memref_slice %arg6[%add3A_16, %dma_wait3A_35] : memref<6144x128xf32, #tpu.memory_space<hbm>> -> memref<96x128xf32, #tpu.memory_space<hbm>>
      tpu.wait_dma2 semaphore(%run_scoped3A : memref<!tpu.dma_semaphore, #tpu.memory_space<semaphore_mem>>) src(%arg8 : memref<96x128xf32, #tpu.memory_space<vmem>>) dst(%dma_wait3A_36 : memref<96x128xf32, #tpu.memory_space<hbm>>)
      tpu.yield
    }) : () -> ()
    return
  }
}

#map = affine_map<(d0, d1) -> (0, 0)>
#map1 = affine_map<(d0, d1) -> (0)>
module attributes {stable_mosaic.version = 14 : i64} {
  func.func @body(%arg0: i32, %arg1: i32, %arg2: memref<10000x128xf32, #tpu.memory_space<hbm>>, %arg3: memref<6144xi32, #tpu.memory_space<hbm>>, %arg4: memref<6144x128xf32, #tpu.memory_space<hbm>>, %arg5: memref<96xi32, #tpu.memory_space<vmem>>, %arg6: memref<96x128xf32, #tpu.memory_space<vmem>>, %arg7: memref<!tpu.dma_semaphore, #tpu.memory_space<semaphore_mem>>) attributes {dimension_semantics = [#tpu.dimension_semantics<core_parallel>, #tpu.dimension_semantics<subcore_parallel>], iteration_bounds = array<i64: 2, 16>, scalar_prefetch = 0 : i64, scratch_operands = 3 : i64, tpu.core_type = #tpu.core_type<sc_vector_subcore>, window_params = [{transform_indices = #map}, {transform_indices = #map1}, {transform_indices = #map}]} {
    %mul3A = arith.constant 2 : i32
    %mul3A_0 = arith.muli %arg1, %mul3A : i32
    %add3A = arith.addi %mul3A_0, %arg0 : i32
    %mul3A_1 = arith.constant 192 : i32
    %mul3A_2 = arith.muli %add3A, %mul3A_1 : i32
    %add3A_3 = arith.constant 0 : i32
    %add3A_4 = arith.addi %mul3A_2, %add3A_3 : i32
    "tpu.region"() ({
      %run_scoped3A = tpu.sem_alloc : memref<!tpu.dma_semaphore, #tpu.memory_space<semaphore_mem>>
      %dma_start3A_17 = tpu.memref_slice %arg3[%add3A_4] : memref<6144xi32, #tpu.memory_space<hbm>> -> memref<96xi32, #tpu.memory_space<hbm>>
      %dma_start3A_18 = tpu.memref_slice %arg3[%add3A_4] : memref<6144xi32, #tpu.memory_space<hbm>> -> memref<96xi32, #tpu.memory_space<hbm>>
      tpu.enqueue_dma source(%dma_start3A_18 : memref<96xi32, #tpu.memory_space<hbm>>) target(%arg5 : memref<96xi32, #tpu.memory_space<vmem>>) target_semaphore(%run_scoped3A : memref<!tpu.dma_semaphore, #tpu.memory_space<semaphore_mem>>)
      %dma_wait3A_19 = tpu.memref_slice %arg3[%add3A_4] : memref<6144xi32, #tpu.memory_space<hbm>> -> memref<96xi32, #tpu.memory_space<hbm>>
      %dma_wait3A_20 = tpu.memref_slice %arg3[%add3A_4] : memref<6144xi32, #tpu.memory_space<hbm>> -> memref<96xi32, #tpu.memory_space<hbm>>
      tpu.wait_dma2 semaphore(%run_scoped3A : memref<!tpu.dma_semaphore, #tpu.memory_space<semaphore_mem>>) src(%dma_wait3A_20 : memref<96xi32, #tpu.memory_space<hbm>>) dst(%arg5 : memref<96xi32, #tpu.memory_space<vmem>>)
      tpu.yield
    }) : () -> ()
    %dma_start3A = arith.constant 0 : i32
    %dma_start3A_5 = arith.constant 0 : i32
    %dma_start3A_6 = tpu.memref_slice %arg2[%dma_start3A, %dma_start3A_5] : memref<10000x128xf32, #tpu.memory_space<hbm>> -> memref<10000x128xf32, #tpu.memory_space<hbm>>
    tpu.enqueue_indirect_dma source(%dma_start3A_6 : memref<10000x128xf32, #tpu.memory_space<hbm>>) target(%arg6 : memref<96x128xf32, #tpu.memory_space<vmem>>) offsets(%arg5 : memref<96xi32, #tpu.memory_space<vmem>>) semaphore(%arg7 : memref<!tpu.dma_semaphore, #tpu.memory_space<semaphore_mem>>)
    %dma_wait3A = arith.constant 0 : i32
    %dma_wait3A_7 = arith.constant 0 : i32
    %dma_wait3A_8 = tpu.memref_slice %arg2[%dma_wait3A, %dma_wait3A_7] : memref<10000x128xf32, #tpu.memory_space<hbm>> -> memref<10000x128xf32, #tpu.memory_space<hbm>>
    tpu.wait_indirect_dma semaphore(%arg7 : memref<!tpu.dma_semaphore, #tpu.memory_space<semaphore_mem>>) src(%dma_wait3A_8 : memref<10000x128xf32, #tpu.memory_space<hbm>>) dst(%arg6 : memref<96x128xf32, #tpu.memory_space<vmem>>)
    "tpu.region"() ({
      %run_scoped3A = tpu.sem_alloc : memref<!tpu.dma_semaphore, #tpu.memory_space<semaphore_mem>>
      %dma_start3A_17 = arith.constant 0 : i32
      %dma_start3A_18 = tpu.memref_slice %arg4[%add3A_4, %dma_start3A_17] : memref<6144x128xf32, #tpu.memory_space<hbm>> -> memref<96x128xf32, #tpu.memory_space<hbm>>
      %dma_start3A_19 = arith.constant 0 : i32
      %dma_start3A_20 = tpu.memref_slice %arg4[%add3A_4, %dma_start3A_19] : memref<6144x128xf32, #tpu.memory_space<hbm>> -> memref<96x128xf32, #tpu.memory_space<hbm>>
      tpu.enqueue_dma source(%arg6 : memref<96x128xf32, #tpu.memory_space<vmem>>) target(%dma_start3A_20 : memref<96x128xf32, #tpu.memory_space<hbm>>) target_semaphore(%run_scoped3A : memref<!tpu.dma_semaphore, #tpu.memory_space<semaphore_mem>>)
      %dma_wait3A_21 = arith.constant 0 : i32
      %dma_wait3A_22 = tpu.memref_slice %arg4[%add3A_4, %dma_wait3A_21] : memref<6144x128xf32, #tpu.memory_space<hbm>> -> memref<96x128xf32, #tpu.memory_space<hbm>>
      %dma_wait3A_23 = arith.constant 0 : i32
      %dma_wait3A_24 = tpu.memref_slice %arg4[%add3A_4, %dma_wait3A_23] : memref<6144x128xf32, #tpu.memory_space<hbm>> -> memref<96x128xf32, #tpu.memory_space<hbm>>
      tpu.wait_dma2 semaphore(%run_scoped3A : memref<!tpu.dma_semaphore, #tpu.memory_space<semaphore_mem>>) src(%arg6 : memref<96x128xf32, #tpu.memory_space<vmem>>) dst(%dma_wait3A_24 : memref<96x128xf32, #tpu.memory_space<hbm>>)
      tpu.yield
    }) : () -> ()
    %add3A_9 = arith.constant 96 : i32
    %add3A_10 = arith.addi %mul3A_2, %add3A_9 : i32
    "tpu.region"() ({
      %run_scoped3A = tpu.sem_alloc : memref<!tpu.dma_semaphore, #tpu.memory_space<semaphore_mem>>
      %dma_start3A_17 = tpu.memref_slice %arg3[%add3A_10] : memref<6144xi32, #tpu.memory_space<hbm>> -> memref<96xi32, #tpu.memory_space<hbm>>
      %dma_start3A_18 = tpu.memref_slice %arg3[%add3A_10] : memref<6144xi32, #tpu.memory_space<hbm>> -> memref<96xi32, #tpu.memory_space<hbm>>
      tpu.enqueue_dma source(%dma_start3A_18 : memref<96xi32, #tpu.memory_space<hbm>>) target(%arg5 : memref<96xi32, #tpu.memory_space<vmem>>) target_semaphore(%run_scoped3A : memref<!tpu.dma_semaphore, #tpu.memory_space<semaphore_mem>>)
      %dma_wait3A_19 = tpu.memref_slice %arg3[%add3A_10] : memref<6144xi32, #tpu.memory_space<hbm>> -> memref<96xi32, #tpu.memory_space<hbm>>
      %dma_wait3A_20 = tpu.memref_slice %arg3[%add3A_10] : memref<6144xi32, #tpu.memory_space<hbm>> -> memref<96xi32, #tpu.memory_space<hbm>>
      tpu.wait_dma2 semaphore(%run_scoped3A : memref<!tpu.dma_semaphore, #tpu.memory_space<semaphore_mem>>) src(%dma_wait3A_20 : memref<96xi32, #tpu.memory_space<hbm>>) dst(%arg5 : memref<96xi32, #tpu.memory_space<vmem>>)
      tpu.yield
    }) : () -> ()
    %dma_start3A_11 = arith.constant 0 : i32
    %dma_start3A_12 = arith.constant 0 : i32
    %dma_start3A_13 = tpu.memref_slice %arg2[%dma_start3A_11, %dma_start3A_12] : memref<10000x128xf32, #tpu.memory_space<hbm>> -> memref<10000x128xf32, #tpu.memory_space<hbm>>
    tpu.enqueue_indirect_dma source(%dma_start3A_13 : memref<10000x128xf32, #tpu.memory_space<hbm>>) target(%arg6 : memref<96x128xf32, #tpu.memory_space<vmem>>) offsets(%arg5 : memref<96xi32, #tpu.memory_space<vmem>>) semaphore(%arg7 : memref<!tpu.dma_semaphore, #tpu.memory_space<semaphore_mem>>)
    %dma_wait3A_14 = arith.constant 0 : i32
    %dma_wait3A_15 = arith.constant 0 : i32
    %dma_wait3A_16 = tpu.memref_slice %arg2[%dma_wait3A_14, %dma_wait3A_15] : memref<10000x128xf32, #tpu.memory_space<hbm>> -> memref<10000x128xf32, #tpu.memory_space<hbm>>
    tpu.wait_indirect_dma semaphore(%arg7 : memref<!tpu.dma_semaphore, #tpu.memory_space<semaphore_mem>>) src(%dma_wait3A_16 : memref<10000x128xf32, #tpu.memory_space<hbm>>) dst(%arg6 : memref<96x128xf32, #tpu.memory_space<vmem>>)
    "tpu.region"() ({
      %run_scoped3A = tpu.sem_alloc : memref<!tpu.dma_semaphore, #tpu.memory_space<semaphore_mem>>
      %dma_start3A_17 = arith.constant 0 : i32
      %dma_start3A_18 = tpu.memref_slice %arg4[%add3A_10, %dma_start3A_17] : memref<6144x128xf32, #tpu.memory_space<hbm>> -> memref<96x128xf32, #tpu.memory_space<hbm>>
      %dma_start3A_19 = arith.constant 0 : i32
      %dma_start3A_20 = tpu.memref_slice %arg4[%add3A_10, %dma_start3A_19] : memref<6144x128xf32, #tpu.memory_space<hbm>> -> memref<96x128xf32, #tpu.memory_space<hbm>>
      tpu.enqueue_dma source(%arg6 : memref<96x128xf32, #tpu.memory_space<vmem>>) target(%dma_start3A_20 : memref<96x128xf32, #tpu.memory_space<hbm>>) target_semaphore(%run_scoped3A : memref<!tpu.dma_semaphore, #tpu.memory_space<semaphore_mem>>)
      %dma_wait3A_21 = arith.constant 0 : i32
      %dma_wait3A_22 = tpu.memref_slice %arg4[%add3A_10, %dma_wait3A_21] : memref<6144x128xf32, #tpu.memory_space<hbm>> -> memref<96x128xf32, #tpu.memory_space<hbm>>
      %dma_wait3A_23 = arith.constant 0 : i32
      %dma_wait3A_24 = tpu.memref_slice %arg4[%add3A_10, %dma_wait3A_23] : memref<6144x128xf32, #tpu.memory_space<hbm>> -> memref<96x128xf32, #tpu.memory_space<hbm>>
      tpu.wait_dma2 semaphore(%run_scoped3A : memref<!tpu.dma_semaphore, #tpu.memory_space<semaphore_mem>>) src(%arg6 : memref<96x128xf32, #tpu.memory_space<vmem>>) dst(%dma_wait3A_24 : memref<96x128xf32, #tpu.memory_space<hbm>>)
      tpu.yield
    }) : () -> ()
    return
  }
}

module attributes {stable_mosaic.version = 14 : i64} {
  func.func @_item_body(%arg0: i32, %arg1: memref<400x1536xf32, #tpu.memory_space<vmem>>, %arg2: memref<400x1xi32, #tpu.memory_space<vmem>>, %arg3: memref<768x128xf32, #tpu.memory_space<vmem>>, %arg4: memref<768x128xf32, #tpu.memory_space<vmem>>, %arg5: memref<384x128xf32, #tpu.memory_space<vmem>>, %arg6: memref<1x128xf32, #tpu.memory_space<vmem>>, %arg7: memref<1x128xf32, #tpu.memory_space<vmem>>, %arg8: memref<1x128xf32, #tpu.memory_space<vmem>>, %arg9: memref<128x128xf32, #tpu.memory_space<vmem>>, %arg10: memref<400x128xf32, #tpu.memory_space<vmem>>, %arg11: memref<1x128xf32, #tpu.memory_space<vmem>>, %arg12: memref<1536x128xf32, #tpu.memory_space<vmem>>, %arg13: memref<128x128xf32, #tpu.memory_space<vmem>>, %arg14: memref<1x128xf32, #tpu.memory_space<vmem>>, %arg15: memref<1x128xf32, #tpu.memory_space<vmem>>) attributes {dimension_semantics = [#tpu.dimension_semantics<arbitrary>], iteration_bounds = array<i64: 25>, scalar_prefetch = 0 : i64, scratch_operands = 4 : i64, tpu.core_type = #tpu.core_type<tc>, window_params = [{transform_indices = @transform_0, window_bounds = array<i64: 400, 1536>}, {transform_indices = @transform_1, window_bounds = array<i64: 400, 1>}, {pipeline_mode = #tpu.pipeline_mode<synchronous>, transform_indices = @transform_2, window_bounds = array<i64: 768, 128>}, {pipeline_mode = #tpu.pipeline_mode<synchronous>, transform_indices = @transform_3, window_bounds = array<i64: 768, 128>}, {pipeline_mode = #tpu.pipeline_mode<synchronous>, transform_indices = @transform_4, window_bounds = array<i64: 384, 128>}, {pipeline_mode = #tpu.pipeline_mode<synchronous>, transform_indices = @transform_5, window_bounds = array<i64: 1, 128>}, {pipeline_mode = #tpu.pipeline_mode<synchronous>, transform_indices = @transform_6, window_bounds = array<i64: 1, 128>}, {pipeline_mode = #tpu.pipeline_mode<synchronous>, transform_indices = @transform_7, window_bounds = array<i64: 1, 128>}, {pipeline_mode = #tpu.pipeline_mode<synchronous>, transform_indices = @transform_8, window_bounds = array<i64: 128, 128>}, {transform_indices = @transform_9, window_bounds = array<i64: 400, 128>}, {pipeline_mode = #tpu.pipeline_mode<synchronous>, transform_indices = @transform_10, window_bounds = array<i64: 1, 128>}]} {
    %eq3A = arith.constant 0 : i32
    %eq3A_0 = arith.cmpi eq, %arg0, %eq3A : i32
    %convert_element_type3A = arith.extui %eq3A_0 : i1 to i32
    %cond3A = arith.constant 0 : i32
    %cond3A_1 = arith.cmpi ne, %convert_element_type3A, %cond3A : i32
    scf.if %cond3A_1 {
      %get3A_42 = arith.constant 0 : index
      %get3A_43 = arith.constant 0 : index
      %get3A_44 = vector.load %arg5[%get3A_42, %get3A_43] : memref<384x128xf32, #tpu.memory_space<vmem>>, vector<128x128xf32>
      %get3A_45 = arith.constant 128 : index
      %get3A_46 = arith.constant 0 : index
      %get3A_47 = vector.load %arg5[%get3A_45, %get3A_46] : memref<384x128xf32, #tpu.memory_space<vmem>>, vector<128x128xf32>
      %get3A_48 = arith.constant 256 : index
      %get3A_49 = arith.constant 0 : index
      %get3A_50 = vector.load %arg5[%get3A_48, %get3A_49] : memref<384x128xf32, #tpu.memory_space<vmem>>, vector<128x128xf32>
      %get3A_51 = arith.constant 0 : index
      %get3A_52 = arith.constant 0 : index
      %get3A_53 = vector.load %arg3[%get3A_51, %get3A_52] : memref<768x128xf32, #tpu.memory_space<vmem>>, vector<768x128xf32>
      %dot_general3A_54 = arith.constant dense<0.000000e+00> : vector<768x128xf32>
      %dot_general3A_55 = tpu.matmul %get3A_53, %get3A_44, %dot_general3A_54 {dimension_numbers = #tpu.dot_dimension_numbers<[1], [0], [0], [1], [0, 0, 1, 1], [], []>, transpose_lhs_hint = false} : vector<768x128xf32>, vector<128x128xf32>, vector<768x128xf32> -> vector<768x128xf32>
      %swap3A_56 = arith.constant 0 : index
      %swap3A_57 = arith.constant 0 : index
      %swap3A_58 = vector.load %arg12[%swap3A_56, %swap3A_57] : memref<1536x128xf32, #tpu.memory_space<vmem>>, vector<768x128xf32>
      tpu.vector_store %arg12[%swap3A_56, %swap3A_57], %dot_general3A_55 {strides = array<i32>} : memref<1536x128xf32, #tpu.memory_space<vmem>>, vector<768x128xf32>,
      %get3A_59 = arith.constant 0 : index
      %get3A_60 = arith.constant 0 : index
      %get3A_61 = vector.load %arg4[%get3A_59, %get3A_60] : memref<768x128xf32, #tpu.memory_space<vmem>>, vector<768x128xf32>
      %dot_general3A_62 = arith.constant dense<0.000000e+00> : vector<768x128xf32>
      %dot_general3A_63 = tpu.matmul %get3A_61, %get3A_47, %dot_general3A_62 {dimension_numbers = #tpu.dot_dimension_numbers<[1], [0], [0], [1], [0, 0, 1, 1], [], []>, transpose_lhs_hint = false} : vector<768x128xf32>, vector<128x128xf32>, vector<768x128xf32> -> vector<768x128xf32>
      %swap3A_64 = arith.constant 768 : index
      %swap3A_65 = arith.constant 0 : index
      %swap3A_66 = vector.load %arg12[%swap3A_64, %swap3A_65] : memref<1536x128xf32, #tpu.memory_space<vmem>>, vector<768x128xf32>
      tpu.vector_store %arg12[%swap3A_64, %swap3A_65], %dot_general3A_63 {strides = array<i32>} : memref<1536x128xf32, #tpu.memory_space<vmem>>, vector<768x128xf32>,
      %get3A_67 = arith.constant 0 : index
      %get3A_68 = arith.constant 0 : index
      %get3A_69 = vector.load %arg9[%get3A_67, %get3A_68] : memref<128x128xf32, #tpu.memory_space<vmem>>, vector<128x128xf32>
      %dot_general3A_70 = arith.constant dense<0.000000e+00> : vector<128x128xf32>
      %dot_general3A_71 = tpu.matmul %get3A_69, %get3A_50, %dot_general3A_70 {dimension_numbers = #tpu.dot_dimension_numbers<[1], [0], [0], [1], [0, 0, 1, 1], [], []>, transpose_lhs_hint = false} : vector<128x128xf32>, vector<128x128xf32>, vector<128x128xf32> -> vector<128x128xf32>
      %swap3A_72 = arith.constant 0 : index
      %swap3A_73 = arith.constant 0 : index
      %swap3A_74 = vector.load %arg13[%swap3A_72, %swap3A_73] : memref<128x128xf32, #tpu.memory_space<vmem>>, vector<128x128xf32>
      tpu.vector_store %arg13[%swap3A_72, %swap3A_73], %dot_general3A_71 {strides = array<i32>} : memref<128x128xf32, #tpu.memory_space<vmem>>, vector<128x128xf32>,
      %get3A_75 = arith.constant 0 : index
      %get3A_76 = arith.constant 0 : index
      %get3A_77 = vector.load %arg6[%get3A_75, %get3A_76] : memref<1x128xf32, #tpu.memory_space<vmem>>, vector<1x128xf32>
      %dot_general3A_78 = arith.constant dense<0.000000e+00> : vector<1x128xf32>
      %dot_general3A_79 = tpu.matmul %get3A_77, %get3A_44, %dot_general3A_78 {dimension_numbers = #tpu.dot_dimension_numbers<[1], [0], [0], [1], [0, 0, 1, 1], [], []>, transpose_lhs_hint = false} : vector<1x128xf32>, vector<128x128xf32>, vector<1x128xf32> -> vector<1x128xf32>
      %get3A_80 = arith.constant 0 : index
      %get3A_81 = arith.constant 0 : index
      %get3A_82 = vector.load %arg7[%get3A_80, %get3A_81] : memref<1x128xf32, #tpu.memory_space<vmem>>, vector<1x128xf32>
      %dot_general3A_83 = arith.constant dense<0.000000e+00> : vector<1x128xf32>
      %dot_general3A_84 = tpu.matmul %get3A_82, %get3A_47, %dot_general3A_83 {dimension_numbers = #tpu.dot_dimension_numbers<[1], [0], [0], [1], [0, 0, 1, 1], [], []>, transpose_lhs_hint = false} : vector<1x128xf32>, vector<128x128xf32>, vector<1x128xf32> -> vector<1x128xf32>
      %add3A_85 = arith.addf %dot_general3A_79, %dot_general3A_84 : vector<1x128xf32>
      %get3A_86 = arith.constant 0 : index
      %get3A_87 = arith.constant 0 : index
      %get3A_88 = vector.load %arg8[%get3A_86, %get3A_87] : memref<1x128xf32, #tpu.memory_space<vmem>>, vector<1x128xf32>
      %add3A_89 = arith.addf %add3A_85, %get3A_88 : vector<1x128xf32>
      %swap3A_90 = arith.constant 0 : index
      %swap3A_91 = arith.constant 0 : index
      %swap3A_92 = vector.load %arg14[%swap3A_90, %swap3A_91] : memref<1x128xf32, #tpu.memory_space<vmem>>, vector<1x128xf32>
      tpu.vector_store %arg14[%swap3A_90, %swap3A_91], %add3A_89 {strides = array<i32>} : memref<1x128xf32, #tpu.memory_space<vmem>>, vector<1x128xf32>,
      %broadcast_in_dim3A_93 = arith.constant 0.000000e+00 : f32
      %broadcast_in_dim3A_94 = vector.broadcast %broadcast_in_dim3A_93 : f32 to vector<1x128xf32>
      %swap3A_95 = arith.constant 0 : index
      %swap3A_96 = arith.constant 0 : index
      %swap3A_97 = vector.load %arg15[%swap3A_95, %swap3A_96] : memref<1x128xf32, #tpu.memory_space<vmem>>, vector<1x128xf32>
      tpu.vector_store %arg15[%swap3A_95, %swap3A_96], %broadcast_in_dim3A_94 {strides = array<i32>} : memref<1x128xf32, #tpu.memory_space<vmem>>, vector<1x128xf32>,
    } else {
    }
    %get3A = arith.constant 0 : index
    %get3A_2 = arith.constant 0 : index
    %get3A_3 = vector.load %arg2[%get3A, %get3A_2] : memref<400x1xi32, #tpu.memory_space<vmem>>, vector<400x1xi32>
    %iota3A = tpu.iota {dimensions = array<i32: 1>} : vector<400x128xi32>
    %eq3A_4 = vector.broadcast %get3A_3 : vector<400x1xi32> to vector<400x128xi32>
    %eq3A_5 = arith.cmpi eq, %eq3A_4, %iota3A : vector<400x128xi32>
    %convert_element_type3A_6 = arith.extui %eq3A_5 : vector<400x128xi1> to vector<400x128xi32>
    %convert_element_type3A_7 = arith.sitofp %convert_element_type3A_6 : vector<400x128xi32> to vector<400x128xf32>
    %get3A_8 = arith.constant 0 : index
    %get3A_9 = arith.constant 0 : index
    %get3A_10 = vector.load %arg1[%get3A_8, %get3A_9] : memref<400x1536xf32, #tpu.memory_space<vmem>>, vector<400x1536xf32>
    %get3A_11 = arith.constant 0 : index
    %get3A_12 = arith.constant 0 : index
    %get3A_13 = vector.load %arg12[%get3A_11, %get3A_12] : memref<1536x128xf32, #tpu.memory_space<vmem>>, vector<1536x128xf32>
    %dot_general3A = arith.constant dense<0.000000e+00> : vector<400x128xf32>
    %dot_general3A_14 = tpu.matmul %get3A_10, %get3A_13, %dot_general3A {dimension_numbers = #tpu.dot_dimension_numbers<[1], [0], [0], [1], [0, 0, 1, 1], [], []>, transpose_lhs_hint = false} : vector<400x1536xf32>, vector<1536x128xf32>, vector<400x128xf32> -> vector<400x128xf32>
    %get3A_15 = arith.constant 0 : index
    %get3A_16 = arith.constant 0 : index
    %get3A_17 = vector.load %arg13[%get3A_15, %get3A_16] : memref<128x128xf32, #tpu.memory_space<vmem>>, vector<128x128xf32>
    %dot_general3A_18 = arith.constant dense<0.000000e+00> : vector<400x128xf32>
    %dot_general3A_19 = tpu.matmul %convert_element_type3A_7, %get3A_17, %dot_general3A_18 {dimension_numbers = #tpu.dot_dimension_numbers<[1], [0], [0], [1], [0, 0, 1, 1], [], []>, transpose_lhs_hint = false} : vector<400x128xf32>, vector<128x128xf32>, vector<400x128xf32> -> vector<400x128xf32>
    %add3A = arith.addf %dot_general3A_14, %dot_general3A_19 : vector<400x128xf32>
    %get3A_20 = arith.constant 0 : index
    %get3A_21 = arith.constant 0 : index
    %get3A_22 = vector.load %arg14[%get3A_20, %get3A_21] : memref<1x128xf32, #tpu.memory_space<vmem>>, vector<1x128xf32>
    %add3A_23 = vector.broadcast %get3A_22 : vector<1x128xf32> to vector<400x128xf32>
    %add3A_24 = arith.addf %add3A, %add3A_23 : vector<400x128xf32>
    %max3A = arith.constant 0.000000e+00 : f32
    %max3A_25 = vector.broadcast %max3A : f32 to vector<400x128xf32>
    %max3A_26 = arith.maximumf %add3A_24, %max3A_25 : vector<400x128xf32>
    %swap3A = arith.constant 0 : index
    %swap3A_27 = arith.constant 0 : index
    %swap3A_28 = vector.load %arg10[%swap3A, %swap3A_27] : memref<400x128xf32, #tpu.memory_space<vmem>>, vector<400x128xf32>
    tpu.vector_store %arg10[%swap3A, %swap3A_27], %max3A_26 {strides = array<i32>} : memref<400x128xf32, #tpu.memory_space<vmem>>, vector<400x128xf32>,
    %get3A_29 = arith.constant 0 : index
    %get3A_30 = arith.constant 0 : index
    %get3A_31 = vector.load %arg15[%get3A_29, %get3A_30] : memref<1x128xf32, #tpu.memory_space<vmem>>, vector<1x128xf32>
    %reduce_sum3A = arith.constant dense<0.000000e+00> : vector<128xf32>
    %reduce_sum3A_32 = vector.multi_reduction <add>, %max3A_26, %reduce_sum3A [0] : vector<400x128xf32> to vector<128xf32>
    %broadcast_in_dim3A = vector.shape_cast %reduce_sum3A_32 : vector<128xf32> to vector<1x128xf32>
    %add3A_33 = arith.addf %get3A_31, %broadcast_in_dim3A : vector<1x128xf32>
    %swap3A_34 = arith.constant 0 : index
    %swap3A_35 = arith.constant 0 : index
    %swap3A_36 = vector.load %arg15[%swap3A_34, %swap3A_35] : memref<1x128xf32, #tpu.memory_space<vmem>>, vector<1x128xf32>
    tpu.vector_store %arg15[%swap3A_34, %swap3A_35], %add3A_33 {strides = array<i32>} : memref<1x128xf32, #tpu.memory_space<vmem>>, vector<1x128xf32>,
    %eq3A_37 = arith.constant 24 : i32
    %eq3A_38 = arith.cmpi eq, %arg0, %eq3A_37 : i32
    %convert_element_type3A_39 = arith.extui %eq3A_38 : i1 to i32
    %cond3A_40 = arith.constant 0 : i32
    %cond3A_41 = arith.cmpi ne, %convert_element_type3A_39, %cond3A_40 : i32
    scf.if %cond3A_41 {
      %get3A_42 = arith.constant 0 : index
      %get3A_43 = arith.constant 0 : index
      %get3A_44 = vector.load %arg15[%get3A_42, %get3A_43] : memref<1x128xf32, #tpu.memory_space<vmem>>, vector<1x128xf32>
      %swap3A_45 = arith.constant 0 : index
      %swap3A_46 = arith.constant 0 : index
      %swap3A_47 = vector.load %arg11[%swap3A_45, %swap3A_46] : memref<1x128xf32, #tpu.memory_space<vmem>>, vector<1x128xf32>
      tpu.vector_store %arg11[%swap3A_45, %swap3A_46], %get3A_44 {strides = array<i32>} : memref<1x128xf32, #tpu.memory_space<vmem>>, vector<1x128xf32>,
    } else {
    }
    return
  }
  func.func @transform_0(%arg0: i32) -> (i32, i32) {
    %c0_i32 = arith.constant 0 : i32
    %c0_i32_0 = arith.constant 0 : i32
    return %arg0, %c0_i32 : i32, i32
  }
  func.func @transform_1(%arg0: i32) -> (i32, i32) {
    %c0_i32 = arith.constant 0 : i32
    %c0_i32_0 = arith.constant 0 : i32
    return %arg0, %c0_i32 : i32, i32
  }
  func.func @transform_2(%arg0: i32) -> (i32, i32) {
    %c0_i32 = arith.constant 0 : i32
    %c0_i32_0 = arith.constant 0 : i32
    %c0_i32_1 = arith.constant 0 : i32
    return %c0_i32, %c0_i32_0 : i32, i32
  }
  func.func @transform_3(%arg0: i32) -> (i32, i32) {
    %c0_i32 = arith.constant 0 : i32
    %c0_i32_0 = arith.constant 0 : i32
    %c0_i32_1 = arith.constant 0 : i32
    return %c0_i32, %c0_i32_0 : i32, i32
  }
  func.func @transform_4(%arg0: i32) -> (i32, i32) {
    %c0_i32 = arith.constant 0 : i32
    %c0_i32_0 = arith.constant 0 : i32
    %c0_i32_1 = arith.constant 0 : i32
    return %c0_i32, %c0_i32_0 : i32, i32
  }
  func.func @transform_5(%arg0: i32) -> (i32, i32) {
    %c0_i32 = arith.constant 0 : i32
    %c0_i32_0 = arith.constant 0 : i32
    %c0_i32_1 = arith.constant 0 : i32
    return %c0_i32, %c0_i32_0 : i32, i32
  }
  func.func @transform_6(%arg0: i32) -> (i32, i32) {
    %c0_i32 = arith.constant 0 : i32
    %c0_i32_0 = arith.constant 0 : i32
    %c0_i32_1 = arith.constant 0 : i32
    return %c0_i32, %c0_i32_0 : i32, i32
  }
  func.func @transform_7(%arg0: i32) -> (i32, i32) {
    %c0_i32 = arith.constant 0 : i32
    %c0_i32_0 = arith.constant 0 : i32
    %c0_i32_1 = arith.constant 0 : i32
    return %c0_i32, %c0_i32_0 : i32, i32
  }
  func.func @transform_8(%arg0: i32) -> (i32, i32) {
    %c0_i32 = arith.constant 0 : i32
    %c0_i32_0 = arith.constant 0 : i32
    %c0_i32_1 = arith.constant 0 : i32
    return %c0_i32, %c0_i32_0 : i32, i32
  }
  func.func @transform_9(%arg0: i32) -> (i32, i32) {
    %c0_i32 = arith.constant 0 : i32
    %c0_i32_0 = arith.constant 0 : i32
    return %arg0, %c0_i32 : i32, i32
  }
  func.func @transform_10(%arg0: i32) -> (i32, i32) {
    %c0_i32 = arith.constant 0 : i32
    %c0_i32_0 = arith.constant 0 : i32
    %c0_i32_1 = arith.constant 0 : i32
    return %c0_i32, %c0_i32_0 : i32, i32
  }
}

module attributes {stable_mosaic.version = 14 : i64} {
  func.func @_p1_body(%arg0: i32, %arg1: memref<400x10000xf32, #tpu.memory_space<vmem>>, %arg2: memref<10000x128xf32, #tpu.memory_space<vmem>>, %arg3: memref<400x128xf32, #tpu.memory_space<vmem>>, %arg4: memref<400x128xf32, #tpu.memory_space<vmem>>, %arg5: memref<1x128xf32, #tpu.memory_space<vmem>>, %arg6: memref<10240x128xbf16, #tpu.memory_space<vmem>>, %arg7: memref<1x128xf32, #tpu.memory_space<vmem>>) attributes {dimension_semantics = [#tpu.dimension_semantics<arbitrary>], iteration_bounds = array<i64: 25>, scalar_prefetch = 0 : i64, scratch_operands = 1 : i64, tpu.core_type = #tpu.core_type<tc>, window_params = [{transform_indices = @transform_0, window_bounds = array<i64: 400, 10000>}, {pipeline_mode = #tpu.pipeline_mode<synchronous>, transform_indices = @transform_1, window_bounds = array<i64: 10000, 128>}, {transform_indices = @transform_2, window_bounds = array<i64: 400, 128>}, {transform_indices = @transform_3, window_bounds = array<i64: 400, 128>}, {pipeline_mode = #tpu.pipeline_mode<synchronous>, transform_indices = @transform_4, window_bounds = array<i64: 1, 128>}, {pipeline_mode = #tpu.pipeline_mode<synchronous>, transform_indices = @transform_5, window_bounds = array<i64: 10240, 128>}]} {
    %get3A = arith.constant 0 : index
    %get3A_0 = arith.constant 0 : index
    %get3A_1 = vector.load %arg1[%get3A, %get3A_0] : memref<400x10000xf32, #tpu.memory_space<vmem>>, vector<400x10000xf32>
    %convert_element_type3A = arith.truncf %get3A_1 : vector<400x10000xf32> to vector<400x10000xbf16>
    %get3A_2 = arith.constant 0 : index
    %get3A_3 = arith.constant 0 : index
    %get3A_4 = vector.load %arg2[%get3A_2, %get3A_3] : memref<10000x128xf32, #tpu.memory_space<vmem>>, vector<10000x128xf32>
    %convert_element_type3A_5 = arith.truncf %get3A_4 : vector<10000x128xf32> to vector<10000x128xbf16>
    %dot_general3A = arith.constant dense<0.000000e+00> : vector<400x128xf32>
    %dot_general3A_6 = tpu.matmul %convert_element_type3A, %convert_element_type3A_5, %dot_general3A {dimension_numbers = #tpu.dot_dimension_numbers<[1], [0], [0], [1], [0, 0, 1, 1], [], []>, transpose_lhs_hint = false} : vector<400x10000xbf16>, vector<10000x128xbf16>, vector<400x128xf32> -> vector<400x128xf32>
    %swap3A = arith.constant 0 : index
    %swap3A_7 = arith.constant 0 : index
    %swap3A_8 = vector.load %arg3[%swap3A, %swap3A_7] : memref<400x128xf32, #tpu.memory_space<vmem>>, vector<400x128xf32>
    tpu.vector_store %arg3[%swap3A, %swap3A_7], %dot_general3A_6 {strides = array<i32>} : memref<400x128xf32, #tpu.memory_space<vmem>>, vector<400x128xf32>,
    %convert_element_type3A_9 = arith.truncf %dot_general3A_6 : vector<400x128xf32> to vector<400x128xbf16>
    %mul3A = arith.constant 400 : i32
    %mul3A_10 = arith.muli %arg0, %mul3A : i32
    %swap3A_11 = arith.index_cast %mul3A_10 : i32 to index
    %swap3A_12 = arith.constant 0 : index
    %swap3A_13 = vector.load %arg6[%swap3A_11, %swap3A_12] : memref<10240x128xbf16, #tpu.memory_space<vmem>>, vector<400x128xbf16>
    tpu.vector_store %arg6[%swap3A_11, %swap3A_12], %convert_element_type3A_9 {strides = array<i32>} : memref<10240x128xbf16, #tpu.memory_space<vmem>>, vector<400x128xbf16>,
    %reduce_sum3A = arith.constant dense<0.000000e+00> : vector<128xf32>
    %reduce_sum3A_14 = vector.multi_reduction <add>, %dot_general3A_6, %reduce_sum3A [0] : vector<400x128xf32> to vector<128xf32>
    %broadcast_in_dim3A = vector.shape_cast %reduce_sum3A_14 : vector<128xf32> to vector<1x128xf32>
    %eq3A = arith.constant 0 : i32
    %eq3A_15 = arith.cmpi eq, %arg0, %eq3A : i32
    %get3A_16 = arith.constant 0 : index
    %get3A_17 = arith.constant 0 : index
    %get3A_18 = vector.load %arg7[%get3A_16, %get3A_17] : memref<1x128xf32, #tpu.memory_space<vmem>>, vector<1x128xf32>
    %add3A = arith.addf %get3A_18, %broadcast_in_dim3A : vector<1x128xf32>
    %select_n3A = arith.select %eq3A_15, %broadcast_in_dim3A, %add3A : vector<1x128xf32>
    %swap3A_19 = arith.constant 0 : index
    %swap3A_20 = arith.constant 0 : index
    %swap3A_21 = vector.load %arg7[%swap3A_19, %swap3A_20] : memref<1x128xf32, #tpu.memory_space<vmem>>, vector<1x128xf32>
    tpu.vector_store %arg7[%swap3A_19, %swap3A_20], %select_n3A {strides = array<i32>} : memref<1x128xf32, #tpu.memory_space<vmem>>, vector<1x128xf32>,
    %eq3A_22 = arith.constant 24 : i32
    %eq3A_23 = arith.cmpi eq, %arg0, %eq3A_22 : i32
    %convert_element_type3A_24 = arith.extui %eq3A_23 : i1 to i32
    %cond3A = arith.constant 0 : i32
    %cond3A_25 = arith.cmpi ne, %convert_element_type3A_24, %cond3A : i32
    scf.if %cond3A_25 {
      %get3A_68 = arith.constant 0 : index
      %get3A_69 = arith.constant 0 : index
      %get3A_70 = vector.load %arg7[%get3A_68, %get3A_69] : memref<1x128xf32, #tpu.memory_space<vmem>>, vector<1x128xf32>
      %swap3A_71 = arith.constant 0 : index
      %swap3A_72 = arith.constant 0 : index
      %swap3A_73 = vector.load %arg5[%swap3A_71, %swap3A_72] : memref<1x128xf32, #tpu.memory_space<vmem>>, vector<1x128xf32>
      tpu.vector_store %arg5[%swap3A_71, %swap3A_72], %get3A_70 {strides = array<i32>} : memref<1x128xf32, #tpu.memory_space<vmem>>, vector<1x128xf32>,
      %broadcast_in_dim3A_74 = arith.constant 0.000000e+00 : bf16
      %broadcast_in_dim3A_75 = vector.broadcast %broadcast_in_dim3A_74 : bf16 to vector<240x128xbf16>
      %swap3A_76 = arith.constant 10000 : index
      %swap3A_77 = arith.constant 0 : index
      %swap3A_78 = vector.load %arg6[%swap3A_76, %swap3A_77] : memref<10240x128xbf16, #tpu.memory_space<vmem>>, vector<240x128xbf16>
      tpu.vector_store %arg6[%swap3A_76, %swap3A_77], %broadcast_in_dim3A_75 {strides = array<i32>} : memref<10240x128xbf16, #tpu.memory_space<vmem>>, vector<240x128xbf16>,
    } else {
    }
    %jit3A = arith.constant 5 : i32
    %div3A = arith.divsi %arg0, %jit3A : i32
    %sign3A = arith.constant 0 : i32
    %sign3A_26 = arith.cmpi sgt, %arg0, %sign3A : i32
    %sign3A_27 = arith.extui %sign3A_26 : i1 to i32
    %sign3A_28 = arith.constant 0 : i32
    %sign3A_29 = arith.cmpi slt, %arg0, %sign3A_28 : i32
    %sign3A_30 = arith.extui %sign3A_29 : i1 to i32
    %sign3A_31 = arith.subi %sign3A_27, %sign3A_30 : i32
    %sign3A_32 = arith.constant 0 : i32
    %sign3A_33 = arith.cmpi sgt, %jit3A, %sign3A_32 : i32
    %sign3A_34 = arith.extui %sign3A_33 : i1 to i32
    %sign3A_35 = arith.constant 0 : i32
    %sign3A_36 = arith.cmpi slt, %jit3A, %sign3A_35 : i32
    %sign3A_37 = arith.extui %sign3A_36 : i1 to i32
    %sign3A_38 = arith.subi %sign3A_34, %sign3A_37 : i32
    %ne3A = arith.cmpi ne, %sign3A_31, %sign3A_38 : i32
    %rem3A = arith.remsi %arg0, %jit3A : i32
    %ne3A_39 = arith.constant 0 : i32
    %ne3A_40 = arith.cmpi ne, %rem3A, %ne3A_39 : i32
    %and3A = arith.andi %ne3A, %ne3A_40 : i1
    %sub3A = arith.constant 1 : i32
    %sub3A_41 = arith.subi %div3A, %sub3A : i32
    %select_n3A_42 = arith.select %and3A, %sub3A_41, %div3A : i32
    %eq3A_43 = arith.constant 0 : i32
    %eq3A_44 = arith.cmpi eq, %select_n3A_42, %eq3A_43 : i32
    %convert_element_type3A_45 = arith.extui %eq3A_44 : i1 to i32
    %cond3A_46 = arith.constant 0 : i32
    %cond3A_47 = arith.cmpi ne, %convert_element_type3A_45, %cond3A_46 : i32
    scf.if %cond3A_47 {
      %broadcast_in_dim3A_68 = arith.constant 0.000000e+00 : f32
      %broadcast_in_dim3A_69 = vector.broadcast %broadcast_in_dim3A_68 : f32 to vector<400x128xf32>
      %swap3A_70 = arith.constant 0 : index
      %swap3A_71 = arith.constant 0 : index
      %swap3A_72 = vector.load %arg4[%swap3A_70, %swap3A_71] : memref<400x128xf32, #tpu.memory_space<vmem>>, vector<400x128xf32>
      tpu.vector_store %arg4[%swap3A_70, %swap3A_71], %broadcast_in_dim3A_69 {strides = array<i32>} : memref<400x128xf32, #tpu.memory_space<vmem>>, vector<400x128xf32>,
    } else {
    }
    %eq3A_48 = arith.constant 1 : i32
    %eq3A_49 = arith.cmpi eq, %select_n3A_42, %eq3A_48 : i32
    %convert_element_type3A_50 = arith.extui %eq3A_49 : i1 to i32
    %cond3A_51 = arith.constant 0 : i32
    %cond3A_52 = arith.cmpi ne, %convert_element_type3A_50, %cond3A_51 : i32
    scf.if %cond3A_52 {
      %get3A_68 = arith.constant 0 : index
      %get3A_69 = arith.constant 0 : index
      %get3A_70 = vector.load %arg1[%get3A_68, %get3A_69] : memref<400x10000xf32, #tpu.memory_space<vmem>>, vector<400x1024xf32>
      %convert_element_type3A_71 = arith.truncf %get3A_70 : vector<400x1024xf32> to vector<400x1024xbf16>
      %get3A_72 = arith.constant 0 : index
      %get3A_73 = arith.constant 0 : index
      %get3A_74 = vector.load %arg6[%get3A_72, %get3A_73] : memref<10240x128xbf16, #tpu.memory_space<vmem>>, vector<1024x128xbf16>
      %dot_general3A_75 = arith.constant dense<0.000000e+00> : vector<400x128xf32>
      %dot_general3A_76 = tpu.matmul %convert_element_type3A_71, %get3A_74, %dot_general3A_75 {dimension_numbers = #tpu.dot_dimension_numbers<[1], [0], [0], [1], [0, 0, 1, 1], [], []>, transpose_lhs_hint = false} : vector<400x1024xbf16>, vector<1024x128xbf16>, vector<400x128xf32> -> vector<400x128xf32>
      %swap3A_77 = arith.constant 0 : index
      %swap3A_78 = arith.constant 0 : index
      %swap3A_79 = vector.load %arg4[%swap3A_77, %swap3A_78] : memref<400x128xf32, #tpu.memory_space<vmem>>, vector<400x128xf32>
      tpu.vector_store %arg4[%swap3A_77, %swap3A_78], %dot_general3A_76 {strides = array<i32>} : memref<400x128xf32, #tpu.memory_space<vmem>>, vector<400x128xf32>,
    } else {
    }
    %eq3A_53 = arith.constant 2 : i32
    %eq3A_54 = arith.cmpi eq, %select_n3A_42, %eq3A_53 : i32
    %convert_element_type3A_55 = arith.extui %eq3A_54 : i1 to i32
    %cond3A_56 = arith.constant 0 : i32
    %cond3A_57 = arith.cmpi ne, %convert_element_type3A_55, %cond3A_56 : i32
    scf.if %cond3A_57 {
      %get3A_68 = arith.constant 0 : index
      %get3A_69 = arith.constant 0 : index
      %get3A_70 = vector.load %arg1[%get3A_68, %get3A_69] : memref<400x10000xf32, #tpu.memory_space<vmem>>, vector<400x3072xf32>
      %convert_element_type3A_71 = arith.truncf %get3A_70 : vector<400x3072xf32> to vector<400x3072xbf16>
      %get3A_72 = arith.constant 0 : index
      %get3A_73 = arith.constant 0 : index
      %get3A_74 = vector.load %arg6[%get3A_72, %get3A_73] : memref<10240x128xbf16, #tpu.memory_space<vmem>>, vector<3072x128xbf16>
      %dot_general3A_75 = arith.constant dense<0.000000e+00> : vector<400x128xf32>
      %dot_general3A_76 = tpu.matmul %convert_element_type3A_71, %get3A_74, %dot_general3A_75 {dimension_numbers = #tpu.dot_dimension_numbers<[1], [0], [0], [1], [0, 0, 1, 1], [], []>, transpose_lhs_hint = false} : vector<400x3072xbf16>, vector<3072x128xbf16>, vector<400x128xf32> -> vector<400x128xf32>
      %swap3A_77 = arith.constant 0 : index
      %swap3A_78 = arith.constant 0 : index
      %swap3A_79 = vector.load %arg4[%swap3A_77, %swap3A_78] : memref<400x128xf32, #tpu.memory_space<vmem>>, vector<400x128xf32>
      tpu.vector_store %arg4[%swap3A_77, %swap3A_78], %dot_general3A_76 {strides = array<i32>} : memref<400x128xf32, #tpu.memory_space<vmem>>, vector<400x128xf32>,
    } else {
    }
    %eq3A_58 = arith.constant 3 : i32
    %eq3A_59 = arith.cmpi eq, %select_n3A_42, %eq3A_58 : i32
    %convert_element_type3A_60 = arith.extui %eq3A_59 : i1 to i32
    %cond3A_61 = arith.constant 0 : i32
    %cond3A_62 = arith.cmpi ne, %convert_element_type3A_60, %cond3A_61 : i32
    scf.if %cond3A_62 {
      %get3A_68 = arith.constant 0 : index
      %get3A_69 = arith.constant 0 : index
      %get3A_70 = vector.load %arg1[%get3A_68, %get3A_69] : memref<400x10000xf32, #tpu.memory_space<vmem>>, vector<400x5120xf32>
      %convert_element_type3A_71 = arith.truncf %get3A_70 : vector<400x5120xf32> to vector<400x5120xbf16>
      %get3A_72 = arith.constant 0 : index
      %get3A_73 = arith.constant 0 : index
      %get3A_74 = vector.load %arg6[%get3A_72, %get3A_73] : memref<10240x128xbf16, #tpu.memory_space<vmem>>, vector<5120x128xbf16>
      %dot_general3A_75 = arith.constant dense<0.000000e+00> : vector<400x128xf32>
      %dot_general3A_76 = tpu.matmul %convert_element_type3A_71, %get3A_74, %dot_general3A_75 {dimension_numbers = #tpu.dot_dimension_numbers<[1], [0], [0], [1], [0, 0, 1, 1], [], []>, transpose_lhs_hint = false} : vector<400x5120xbf16>, vector<5120x128xbf16>, vector<400x128xf32> -> vector<400x128xf32>
      %swap3A_77 = arith.constant 0 : index
      %swap3A_78 = arith.constant 0 : index
      %swap3A_79 = vector.load %arg4[%swap3A_77, %swap3A_78] : memref<400x128xf32, #tpu.memory_space<vmem>>, vector<400x128xf32>
      tpu.vector_store %arg4[%swap3A_77, %swap3A_78], %dot_general3A_76 {strides = array<i32>} : memref<400x128xf32, #tpu.memory_space<vmem>>, vector<400x128xf32>,
    } else {
    }
    %eq3A_63 = arith.constant 4 : i32
    %eq3A_64 = arith.cmpi eq, %select_n3A_42, %eq3A_63 : i32
    %convert_element_type3A_65 = arith.extui %eq3A_64 : i1 to i32
    %cond3A_66 = arith.constant 0 : i32
    %cond3A_67 = arith.cmpi ne, %convert_element_type3A_65, %cond3A_66 : i32
    scf.if %cond3A_67 {
      %get3A_68 = arith.constant 0 : index
      %get3A_69 = arith.constant 0 : index
      %get3A_70 = vector.load %arg1[%get3A_68, %get3A_69] : memref<400x10000xf32, #tpu.memory_space<vmem>>, vector<400x7168xf32>
      %convert_element_type3A_71 = arith.truncf %get3A_70 : vector<400x7168xf32> to vector<400x7168xbf16>
      %get3A_72 = arith.constant 0 : index
      %get3A_73 = arith.constant 0 : index
      %get3A_74 = vector.load %arg6[%get3A_72, %get3A_73] : memref<10240x128xbf16, #tpu.memory_space<vmem>>, vector<7168x128xbf16>
      %dot_general3A_75 = arith.constant dense<0.000000e+00> : vector<400x128xf32>
      %dot_general3A_76 = tpu.matmul %convert_element_type3A_71, %get3A_74, %dot_general3A_75 {dimension_numbers = #tpu.dot_dimension_numbers<[1], [0], [0], [1], [0, 0, 1, 1], [], []>, transpose_lhs_hint = false} : vector<400x7168xbf16>, vector<7168x128xbf16>, vector<400x128xf32> -> vector<400x128xf32>
      %swap3A_77 = arith.constant 0 : index
      %swap3A_78 = arith.constant 0 : index
      %swap3A_79 = vector.load %arg4[%swap3A_77, %swap3A_78] : memref<400x128xf32, #tpu.memory_space<vmem>>, vector<400x128xf32>
      tpu.vector_store %arg4[%swap3A_77, %swap3A_78], %dot_general3A_76 {strides = array<i32>} : memref<400x128xf32, #tpu.memory_space<vmem>>, vector<400x128xf32>,
    } else {
    }
    return
  }
  func.func @transform_0(%arg0: i32) -> (i32, i32) {
    %c0_i32 = arith.constant 0 : i32
    %c0_i32_0 = arith.constant 0 : i32
    return %arg0, %c0_i32 : i32, i32
  }
  func.func @transform_1(%arg0: i32) -> (i32, i32) {
    %c0_i32 = arith.constant 0 : i32
    %c0_i32_0 = arith.constant 0 : i32
    %c0_i32_1 = arith.constant 0 : i32
    return %c0_i32, %c0_i32_0 : i32, i32
  }
  func.func @transform_2(%arg0: i32) -> (i32, i32) {
    %c0_i32 = arith.constant 0 : i32
    %c0_i32_0 = arith.constant 0 : i32
    return %arg0, %c0_i32 : i32, i32
  }
  func.func @transform_3(%arg0: i32) -> (i32, i32) {
    %c0_i32 = arith.constant 0 : i32
    %c0_i32_0 = arith.constant 0 : i32
    return %arg0, %c0_i32 : i32, i32
  }
  func.func @transform_4(%arg0: i32) -> (i32, i32) {
    %c0_i32 = arith.constant 0 : i32
    %c0_i32_0 = arith.constant 0 : i32
    %c0_i32_1 = arith.constant 0 : i32
    return %c0_i32, %c0_i32_0 : i32, i32
  }
  func.func @transform_5(%arg0: i32) -> (i32, i32) {
    %c0_i32 = arith.constant 0 : i32
    %c0_i32_0 = arith.constant 0 : i32
    %c0_i32_1 = arith.constant 0 : i32
    return %c0_i32, %c0_i32_0 : i32, i32
  }
}

module attributes {stable_mosaic.version = 14 : i64} {
  func.func @_p2_body(%arg0: i32, %arg1: memref<34xi32, #tpu.memory_space<smem>>, %arg2: memref<34xi32, #tpu.memory_space<smem>>, %arg3: memref<34xi32, #tpu.memory_space<smem>>, %arg4: memref<2000x1024xf32, #tpu.memory_space<vmem>>, %arg5: memref<10240x128xbf16, #tpu.memory_space<vmem>>, %arg6: memref<2000x128xf32, #tpu.memory_space<vmem>>, %arg7: memref<2000x128xf32, #tpu.memory_space<vmem>>, %arg8: memref<1x128xf32, #tpu.memory_space<vmem>>, %arg9: memref<2000x128xf32, #tpu.memory_space<vmem>>, %arg10: memref<1x128xf32, #tpu.memory_space<vmem>>) attributes {dimension_semantics = [#tpu.dimension_semantics<arbitrary>], iteration_bounds = array<i64: 34>, scalar_prefetch = 3 : i64, scratch_operands = 2 : i64, tpu.core_type = #tpu.core_type<tc>, window_params = [{transform_indices = @transform_0, window_bounds = array<i64: 2000, 1024>}, {pipeline_mode = #tpu.pipeline_mode<synchronous>, transform_indices = @transform_1, window_bounds = array<i64: 10240, 128>}, {transform_indices = @transform_2, window_bounds = array<i64: 2000, 128>}, {transform_indices = @transform_3, window_bounds = array<i64: 2000, 128>}, {pipeline_mode = #tpu.pipeline_mode<synchronous>, transform_indices = @transform_4, window_bounds = array<i64: 1, 128>}]} {
    %get3A = arith.index_cast %arg0 : i32 to index
    %get3A_0 = memref.load %arg2[%get3A] : memref<34xi32, #tpu.memory_space<smem>>
    %get3A_1 = arith.index_cast %arg0 : i32 to index
    %get3A_2 = memref.load %arg3[%get3A_1] : memref<34xi32, #tpu.memory_space<smem>>
    %eq3A = arith.constant 0 : i32
    %eq3A_3 = arith.cmpi eq, %arg0, %eq3A : i32
    %convert_element_type3A = arith.extui %eq3A_3 : i1 to i32
    %cond3A = arith.constant 0 : i32
    %cond3A_4 = arith.cmpi ne, %convert_element_type3A, %cond3A : i32
    scf.if %cond3A_4 {
      %broadcast_in_dim3A = arith.constant 0.000000e+00 : f32
      %broadcast_in_dim3A_36 = vector.broadcast %broadcast_in_dim3A : f32 to vector<1x128xf32>
      %swap3A = arith.constant 0 : index
      %swap3A_37 = arith.constant 0 : index
      %swap3A_38 = vector.load %arg10[%swap3A, %swap3A_37] : memref<1x128xf32, #tpu.memory_space<vmem>>, vector<1x128xf32>
      tpu.vector_store %arg10[%swap3A, %swap3A_37], %broadcast_in_dim3A_36 {strides = array<i32>} : memref<1x128xf32, #tpu.memory_space<vmem>>, vector<1x128xf32>,
    } else {
    }
    %and3A = arith.constant 1 : i32
    %and3A_5 = arith.andi %get3A_2, %and3A : i32
    %ne3A = arith.constant 0 : i32
    %ne3A_6 = arith.cmpi ne, %and3A_5, %ne3A : i32
    %convert_element_type3A_7 = arith.extui %ne3A_6 : i1 to i32
    %cond3A_8 = arith.constant 0 : i32
    %cond3A_9 = arith.cmpi ne, %convert_element_type3A_7, %cond3A_8 : i32
    scf.if %cond3A_9 {
      %get3A_36 = arith.constant 0 : index
      %get3A_37 = arith.constant 0 : index
      %get3A_38 = vector.load %arg6[%get3A_36, %get3A_37] : memref<2000x128xf32, #tpu.memory_space<vmem>>, vector<2000x128xf32>
      %swap3A = arith.constant 0 : index
      %swap3A_39 = arith.constant 0 : index
      %swap3A_40 = vector.load %arg9[%swap3A, %swap3A_39] : memref<2000x128xf32, #tpu.memory_space<vmem>>, vector<2000x128xf32>
      tpu.vector_store %arg9[%swap3A, %swap3A_39], %get3A_38 {strides = array<i32>} : memref<2000x128xf32, #tpu.memory_space<vmem>>, vector<2000x128xf32>,
    } else {
    }
    %and3A_10 = arith.constant 4 : i32
    %and3A_11 = arith.andi %get3A_2, %and3A_10 : i32
    %eq3A_12 = arith.constant 0 : i32
    %eq3A_13 = arith.cmpi eq, %and3A_11, %eq3A_12 : i32
    %convert_element_type3A_14 = arith.extui %eq3A_13 : i1 to i32
    %cond3A_15 = arith.constant 0 : i32
    %cond3A_16 = arith.cmpi ne, %convert_element_type3A_14, %cond3A_15 : i32
    scf.if %cond3A_16 {
      %get3A_36 = arith.constant 0 : index
      %get3A_37 = arith.constant 0 : index
      %get3A_38 = vector.load %arg9[%get3A_36, %get3A_37] : memref<2000x128xf32, #tpu.memory_space<vmem>>, vector<2000x128xf32>
      %get3A_39 = arith.constant 0 : index
      %get3A_40 = arith.constant 0 : index
      %get3A_41 = vector.load %arg4[%get3A_39, %get3A_40] : memref<2000x1024xf32, #tpu.memory_space<vmem>>, vector<2000x1024xf32>
      %convert_element_type3A_42 = arith.truncf %get3A_41 : vector<2000x1024xf32> to vector<2000x1024xbf16>
      %mul3A = arith.constant 1024 : i32
      %mul3A_43 = arith.muli %get3A_0, %mul3A : i32
      %get3A_44 = arith.index_cast %mul3A_43 : i32 to index
      %get3A_45 = arith.constant 0 : index
      %get3A_46 = vector.load %arg5[%get3A_44, %get3A_45] : memref<10240x128xbf16, #tpu.memory_space<vmem>>, vector<1024x128xbf16>
      %dot_general3A = arith.constant dense<0.000000e+00> : vector<2000x128xf32>
      %dot_general3A_47 = tpu.matmul %convert_element_type3A_42, %get3A_46, %dot_general3A {dimension_numbers = #tpu.dot_dimension_numbers<[1], [0], [0], [1], [0, 0, 1, 1], [], []>, transpose_lhs_hint = false} : vector<2000x1024xbf16>, vector<1024x128xbf16>, vector<2000x128xf32> -> vector<2000x128xf32>
      %add3A = arith.addf %get3A_38, %dot_general3A_47 : vector<2000x128xf32>
      %swap3A = arith.constant 0 : index
      %swap3A_48 = arith.constant 0 : index
      %swap3A_49 = vector.load %arg9[%swap3A, %swap3A_48] : memref<2000x128xf32, #tpu.memory_space<vmem>>, vector<2000x128xf32>
      tpu.vector_store %arg9[%swap3A, %swap3A_48], %add3A {strides = array<i32>} : memref<2000x128xf32, #tpu.memory_space<vmem>>, vector<2000x128xf32>,
    } else {
    }
    %and3A_17 = arith.constant 4 : i32
    %and3A_18 = arith.andi %get3A_2, %and3A_17 : i32
    %ne3A_19 = arith.constant 0 : i32
    %ne3A_20 = arith.cmpi ne, %and3A_18, %ne3A_19 : i32
    %convert_element_type3A_21 = arith.extui %ne3A_20 : i1 to i32
    %cond3A_22 = arith.constant 0 : i32
    %cond3A_23 = arith.cmpi ne, %convert_element_type3A_21, %cond3A_22 : i32
    scf.if %cond3A_23 {
      %iota3A = tpu.iota {dimensions = array<i32: 1>} : vector<2000x1024xi32>
      %lt3A = arith.constant 784 : i32
      %lt3A_36 = vector.broadcast %lt3A : i32 to vector<2000x1024xi32>
      %lt3A_37 = arith.cmpi slt, %iota3A, %lt3A_36 : vector<2000x1024xi32>
      %get3A_38 = arith.constant 0 : index
      %get3A_39 = arith.constant 0 : index
      %get3A_40 = vector.load %arg4[%get3A_38, %get3A_39] : memref<2000x1024xf32, #tpu.memory_space<vmem>>, vector<2000x1024xf32>
      %jit3A = arith.constant 0.000000e+00 : f32
      %broadcast_in_dim3A = vector.broadcast %jit3A : f32 to vector<2000x1024xf32>
      %select_n3A = arith.select %lt3A_37, %get3A_40, %broadcast_in_dim3A : vector<2000x1024xi1>, vector<2000x1024xf32>
      %get3A_41 = arith.constant 0 : index
      %get3A_42 = arith.constant 0 : index
      %get3A_43 = vector.load %arg9[%get3A_41, %get3A_42] : memref<2000x128xf32, #tpu.memory_space<vmem>>, vector<2000x128xf32>
      %convert_element_type3A_44 = arith.truncf %select_n3A : vector<2000x1024xf32> to vector<2000x1024xbf16>
      %mul3A = arith.constant 1024 : i32
      %mul3A_45 = arith.muli %get3A_0, %mul3A : i32
      %get3A_46 = arith.index_cast %mul3A_45 : i32 to index
      %get3A_47 = arith.constant 0 : index
      %get3A_48 = vector.load %arg5[%get3A_46, %get3A_47] : memref<10240x128xbf16, #tpu.memory_space<vmem>>, vector<1024x128xbf16>
      %dot_general3A = arith.constant dense<0.000000e+00> : vector<2000x128xf32>
      %dot_general3A_49 = tpu.matmul %convert_element_type3A_44, %get3A_48, %dot_general3A {dimension_numbers = #tpu.dot_dimension_numbers<[1], [0], [0], [1], [0, 0, 1, 1], [], []>, transpose_lhs_hint = false} : vector<2000x1024xbf16>, vector<1024x128xbf16>, vector<2000x128xf32> -> vector<2000x128xf32>
      %add3A = arith.addf %get3A_43, %dot_general3A_49 : vector<2000x128xf32>
      %swap3A = arith.constant 0 : index
      %swap3A_50 = arith.constant 0 : index
      %swap3A_51 = vector.load %arg9[%swap3A, %swap3A_50] : memref<2000x128xf32, #tpu.memory_space<vmem>>, vector<2000x128xf32>
      tpu.vector_store %arg9[%swap3A, %swap3A_50], %add3A {strides = array<i32>} : memref<2000x128xf32, #tpu.memory_space<vmem>>, vector<2000x128xf32>,
    } else {
    }
    %and3A_24 = arith.constant 2 : i32
    %and3A_25 = arith.andi %get3A_2, %and3A_24 : i32
    %ne3A_26 = arith.constant 0 : i32
    %ne3A_27 = arith.cmpi ne, %and3A_25, %ne3A_26 : i32
    %convert_element_type3A_28 = arith.extui %ne3A_27 : i1 to i32
    %cond3A_29 = arith.constant 0 : i32
    %cond3A_30 = arith.cmpi ne, %convert_element_type3A_28, %cond3A_29 : i32
    scf.if %cond3A_30 {
      %get3A_36 = arith.constant 0 : index
      %get3A_37 = arith.constant 0 : index
      %get3A_38 = vector.load %arg9[%get3A_36, %get3A_37] : memref<2000x128xf32, #tpu.memory_space<vmem>>, vector<2000x128xf32>
      %swap3A = arith.constant 0 : index
      %swap3A_39 = arith.constant 0 : index
      %swap3A_40 = vector.load %arg7[%swap3A, %swap3A_39] : memref<2000x128xf32, #tpu.memory_space<vmem>>, vector<2000x128xf32>
      tpu.vector_store %arg7[%swap3A, %swap3A_39], %get3A_38 {strides = array<i32>} : memref<2000x128xf32, #tpu.memory_space<vmem>>, vector<2000x128xf32>,
      %get3A_41 = arith.constant 0 : index
      %get3A_42 = arith.constant 0 : index
      %get3A_43 = vector.load %arg10[%get3A_41, %get3A_42] : memref<1x128xf32, #tpu.memory_space<vmem>>, vector<1x128xf32>
      %get3A_44 = arith.constant 0 : index
      %get3A_45 = arith.constant 0 : index
      %get3A_46 = vector.load %arg9[%get3A_44, %get3A_45] : memref<2000x128xf32, #tpu.memory_space<vmem>>, vector<2000x128xf32>
      %reduce_sum3A = arith.constant dense<0.000000e+00> : vector<128xf32>
      %reduce_sum3A_47 = vector.multi_reduction <add>, %get3A_46, %reduce_sum3A [0] : vector<2000x128xf32> to vector<128xf32>
      %broadcast_in_dim3A = vector.shape_cast %reduce_sum3A_47 : vector<128xf32> to vector<1x128xf32>
      %add3A = arith.addf %get3A_43, %broadcast_in_dim3A : vector<1x128xf32>
      %swap3A_48 = arith.constant 0 : index
      %swap3A_49 = arith.constant 0 : index
      %swap3A_50 = vector.load %arg10[%swap3A_48, %swap3A_49] : memref<1x128xf32, #tpu.memory_space<vmem>>, vector<1x128xf32>
      tpu.vector_store %arg10[%swap3A_48, %swap3A_49], %add3A {strides = array<i32>} : memref<1x128xf32, #tpu.memory_space<vmem>>, vector<1x128xf32>,
    } else {
    }
    %eq3A_31 = arith.constant 33 : i32
    %eq3A_32 = arith.cmpi eq, %arg0, %eq3A_31 : i32
    %convert_element_type3A_33 = arith.extui %eq3A_32 : i1 to i32
    %cond3A_34 = arith.constant 0 : i32
    %cond3A_35 = arith.cmpi ne, %convert_element_type3A_33, %cond3A_34 : i32
    scf.if %cond3A_35 {
      %get3A_36 = arith.constant 0 : index
      %get3A_37 = arith.constant 0 : index
      %get3A_38 = vector.load %arg10[%get3A_36, %get3A_37] : memref<1x128xf32, #tpu.memory_space<vmem>>, vector<1x128xf32>
      %swap3A = arith.constant 0 : index
      %swap3A_39 = arith.constant 0 : index
      %swap3A_40 = vector.load %arg8[%swap3A, %swap3A_39] : memref<1x128xf32, #tpu.memory_space<vmem>>, vector<1x128xf32>
      tpu.vector_store %arg8[%swap3A, %swap3A_39], %get3A_38 {strides = array<i32>} : memref<1x128xf32, #tpu.memory_space<vmem>>, vector<1x128xf32>,
    } else {
    }
    return
  }
  func.func @transform_0(%arg0: i32, %arg1: memref<34xi32, #tpu.memory_space<smem>>, %arg2: memref<34xi32, #tpu.memory_space<smem>>, %arg3: memref<34xi32, #tpu.memory_space<smem>>) -> (i32, i32) {
    %get3A = arith.index_cast %arg0 : i32 to index
    %get3A_0 = memref.load %arg1[%get3A] : memref<34xi32, #tpu.memory_space<smem>>
    %get3A_1 = arith.index_cast %arg0 : i32 to index
    %get3A_2 = memref.load %arg2[%get3A_1] : memref<34xi32, #tpu.memory_space<smem>>
    %c0_i32 = arith.constant 0 : i32
    return %get3A_0, %get3A_2 : i32, i32
  }
  func.func @transform_1(%arg0: i32, %arg1: memref<34xi32, #tpu.memory_space<smem>>, %arg2: memref<34xi32, #tpu.memory_space<smem>>, %arg3: memref<34xi32, #tpu.memory_space<smem>>) -> (i32, i32) {
    %c0_i32 = arith.constant 0 : i32
    %c0_i32_0 = arith.constant 0 : i32
    %c0_i32_1 = arith.constant 0 : i32
    return %c0_i32, %c0_i32_0 : i32, i32
  }
  func.func @transform_2(%arg0: i32, %arg1: memref<34xi32, #tpu.memory_space<smem>>, %arg2: memref<34xi32, #tpu.memory_space<smem>>, %arg3: memref<34xi32, #tpu.memory_space<smem>>) -> (i32, i32) {
    %get3A = arith.index_cast %arg0 : i32 to index
    %get3A_0 = memref.load %arg1[%get3A] : memref<34xi32, #tpu.memory_space<smem>>
    %c0_i32 = arith.constant 0 : i32
    %c0_i32_1 = arith.constant 0 : i32
    return %get3A_0, %c0_i32 : i32, i32
  }
  func.func @transform_3(%arg0: i32, %arg1: memref<34xi32, #tpu.memory_space<smem>>, %arg2: memref<34xi32, #tpu.memory_space<smem>>, %arg3: memref<34xi32, #tpu.memory_space<smem>>) -> (i32, i32) {
    %get3A = arith.index_cast %arg0 : i32 to index
    %get3A_0 = memref.load %arg1[%get3A] : memref<34xi32, #tpu.memory_space<smem>>
    %c0_i32 = arith.constant 0 : i32
    %c0_i32_1 = arith.constant 0 : i32
    return %get3A_0, %c0_i32 : i32, i32
  }
  func.func @transform_4(%arg0: i32, %arg1: memref<34xi32, #tpu.memory_space<smem>>, %arg2: memref<34xi32, #tpu.memory_space<smem>>, %arg3: memref<34xi32, #tpu.memory_space<smem>>) -> (i32, i32) {
    %c0_i32 = arith.constant 0 : i32
    %c0_i32_0 = arith.constant 0 : i32
    %c0_i32_1 = arith.constant 0 : i32
    return %c0_i32, %c0_i32_0 : i32, i32
  }
}

module attributes {stable_mosaic.version = 14 : i64} {
  func.func @_gc_body(%arg0: i32, %arg1: memref<400x128xf32, #tpu.memory_space<vmem>>, %arg2: memref<400x128xf32, #tpu.memory_space<vmem>>, %arg3: memref<400x128xf32, #tpu.memory_space<vmem>>, %arg4: memref<1x128xf32, #tpu.memory_space<vmem>>, %arg5: memref<1x128xf32, #tpu.memory_space<vmem>>, %arg6: memref<1x128xf32, #tpu.memory_space<vmem>>, %arg7: memref<128x128xf32, #tpu.memory_space<vmem>>, %arg8: memref<128x128xf32, #tpu.memory_space<vmem>>, %arg9: memref<1x128xf32, #tpu.memory_space<vmem>>, %arg10: memref<1x128xf32, #tpu.memory_space<vmem>>, %arg11: memref<1x128xf32, #tpu.memory_space<vmem>>, %arg12: memref<1x128xf32, #tpu.memory_space<vmem>>, %arg13: memref<128x128xf32, #tpu.memory_space<vmem>>, %arg14: memref<128x128xf32, #tpu.memory_space<vmem>>, %arg15: memref<1x128xf32, #tpu.memory_space<vmem>>, %arg16: memref<128x128xf32, #tpu.memory_space<vmem>>, %arg17: memref<128x128xf32, #tpu.memory_space<vmem>>, %arg18: memref<1x128xf32, #tpu.memory_space<vmem>>, %arg19: memref<2x128xf32, #tpu.memory_space<vmem>>, %arg20: memref<128x128xf32, #tpu.memory_space<vmem>>, %arg21: memref<128x128xf32, #tpu.memory_space<vmem>>) attributes {dimension_semantics = [#tpu.dimension_semantics<arbitrary>], iteration_bounds = array<i64: 25>, scalar_prefetch = 0 : i64, scratch_operands = 3 : i64, tpu.core_type = #tpu.core_type<tc>, window_params = [{transform_indices = @transform_0, window_bounds = array<i64: 400, 128>}, {transform_indices = @transform_1, window_bounds = array<i64: 400, 128>}, {transform_indices = @transform_2, window_bounds = array<i64: 400, 128>}, {pipeline_mode = #tpu.pipeline_mode<synchronous>, transform_indices = @transform_3, window_bounds = array<i64: 1, 128>}, {pipeline_mode = #tpu.pipeline_mode<synchronous>, transform_indices = @transform_4, window_bounds = array<i64: 1, 128>}, {pipeline_mode = #tpu.pipeline_mode<synchronous>, transform_indices = @transform_5, window_bounds = array<i64: 1, 128>}, {pipeline_mode = #tpu.pipeline_mode<synchronous>, transform_indices = @transform_6, window_bounds = array<i64: 128, 128>}, {pipeline_mode = #tpu.pipeline_mode<synchronous>, transform_indices = @transform_7, window_bounds = array<i64: 128, 128>}, {pipeline_mode = #tpu.pipeline_mode<synchronous>, transform_indices = @transform_8, window_bounds = array<i64: 1, 128>}, {pipeline_mode = #tpu.pipeline_mode<synchronous>, transform_indices = @transform_9, window_bounds = array<i64: 1, 128>}, {pipeline_mode = #tpu.pipeline_mode<synchronous>, transform_indices = @transform_10, window_bounds = array<i64: 1, 128>}, {pipeline_mode = #tpu.pipeline_mode<synchronous>, transform_indices = @transform_11, window_bounds = array<i64: 1, 128>}, {pipeline_mode = #tpu.pipeline_mode<synchronous>, transform_indices = @transform_12, window_bounds = array<i64: 128, 128>}, {pipeline_mode = #tpu.pipeline_mode<synchronous>, transform_indices = @transform_13, window_bounds = array<i64: 128, 128>}, {pipeline_mode = #tpu.pipeline_mode<synchronous>, transform_indices = @transform_14, window_bounds = array<i64: 1, 128>}, {pipeline_mode = #tpu.pipeline_mode<synchronous>, transform_indices = @transform_15, window_bounds = array<i64: 128, 128>}, {pipeline_mode = #tpu.pipeline_mode<synchronous>, transform_indices = @transform_16, window_bounds = array<i64: 128, 128>}, {pipeline_mode = #tpu.pipeline_mode<synchronous>, transform_indices = @transform_17, window_bounds = array<i64: 1, 128>}]} {
    %eq3A = arith.constant 0 : i32
    %eq3A_0 = arith.cmpi eq, %arg0, %eq3A : i32
    %convert_element_type3A = arith.extui %eq3A_0 : i1 to i32
    %cond3A = arith.constant 0 : i32
    %cond3A_1 = arith.cmpi ne, %convert_element_type3A, %cond3A : i32
    scf.if %cond3A_1 {
      %get3A_48 = arith.constant 0 : index
      %get3A_49 = arith.constant 0 : index
      %get3A_50 = vector.load %arg4[%get3A_48, %get3A_49] : memref<1x128xf32, #tpu.memory_space<vmem>>, vector<1x128xf32>
      %get3A_51 = arith.constant 0 : index
      %get3A_52 = arith.constant 0 : index
      %get3A_53 = vector.load %arg6[%get3A_51, %get3A_52] : memref<1x128xf32, #tpu.memory_space<vmem>>, vector<1x128xf32>
      %add3A_54 = arith.addf %get3A_50, %get3A_53 : vector<1x128xf32>
      %mul3A_55 = arith.constant 5.000000e-01 : f32
      %mul3A_56 = vector.broadcast %mul3A_55 : f32 to vector<1x128xf32>
      %mul3A_57 = arith.mulf %mul3A_56, %add3A_54 : vector<1x128xf32>
      %mul3A_58 = arith.constant 9.99999974E-5 : f32
      %mul3A_59 = vector.broadcast %mul3A_58 : f32 to vector<1x128xf32>
      %mul3A_60 = arith.mulf %mul3A_57, %mul3A_59 : vector<1x128xf32>
      %swap3A_61 = arith.constant 0 : index
      %swap3A_62 = arith.constant 0 : index
      %swap3A_63 = vector.load %arg19[%swap3A_61, %swap3A_62] : memref<2x128xf32, #tpu.memory_space<vmem>>, vector<1x128xf32>
      tpu.vector_store %arg19[%swap3A_61, %swap3A_62], %mul3A_60 {strides = array<i32>} : memref<2x128xf32, #tpu.memory_space<vmem>>, vector<1x128xf32>,
      %get3A_64 = arith.constant 0 : index
      %get3A_65 = arith.constant 0 : index
      %get3A_66 = vector.load %arg5[%get3A_64, %get3A_65] : memref<1x128xf32, #tpu.memory_space<vmem>>, vector<1x128xf32>
      %get3A_67 = arith.constant 0 : index
      %get3A_68 = arith.constant 0 : index
      %get3A_69 = vector.load %arg6[%get3A_67, %get3A_68] : memref<1x128xf32, #tpu.memory_space<vmem>>, vector<1x128xf32>
      %sub3A_70 = arith.subf %get3A_66, %get3A_69 : vector<1x128xf32>
      %mul3A_71 = arith.constant 5.000000e-01 : f32
      %mul3A_72 = vector.broadcast %mul3A_71 : f32 to vector<1x128xf32>
      %mul3A_73 = arith.mulf %mul3A_72, %sub3A_70 : vector<1x128xf32>
      %mul3A_74 = arith.constant 9.99999974E-5 : f32
      %mul3A_75 = vector.broadcast %mul3A_74 : f32 to vector<1x128xf32>
      %mul3A_76 = arith.mulf %mul3A_73, %mul3A_75 : vector<1x128xf32>
      %swap3A_77 = arith.constant 1 : index
      %swap3A_78 = arith.constant 0 : index
      %swap3A_79 = vector.load %arg19[%swap3A_77, %swap3A_78] : memref<2x128xf32, #tpu.memory_space<vmem>>, vector<1x128xf32>
      tpu.vector_store %arg19[%swap3A_77, %swap3A_78], %mul3A_76 {strides = array<i32>} : memref<2x128xf32, #tpu.memory_space<vmem>>, vector<1x128xf32>,
      %broadcast_in_dim3A = arith.constant 0.000000e+00 : f32
      %broadcast_in_dim3A_80 = vector.broadcast %broadcast_in_dim3A : f32 to vector<128x128xf32>
      %swap3A_81 = arith.constant 0 : index
      %swap3A_82 = arith.constant 0 : index
      %swap3A_83 = vector.load %arg20[%swap3A_81, %swap3A_82] : memref<128x128xf32, #tpu.memory_space<vmem>>, vector<128x128xf32>
      tpu.vector_store %arg20[%swap3A_81, %swap3A_82], %broadcast_in_dim3A_80 {strides = array<i32>} : memref<128x128xf32, #tpu.memory_space<vmem>>, vector<128x128xf32>,
      %broadcast_in_dim3A_84 = arith.constant 0.000000e+00 : f32
      %broadcast_in_dim3A_85 = vector.broadcast %broadcast_in_dim3A_84 : f32 to vector<128x128xf32>
      %swap3A_86 = arith.constant 0 : index
      %swap3A_87 = arith.constant 0 : index
      %swap3A_88 = vector.load %arg21[%swap3A_86, %swap3A_87] : memref<128x128xf32, #tpu.memory_space<vmem>>, vector<128x128xf32>
      tpu.vector_store %arg21[%swap3A_86, %swap3A_87], %broadcast_in_dim3A_85 {strides = array<i32>} : memref<128x128xf32, #tpu.memory_space<vmem>>, vector<128x128xf32>,
    } else {
    }
    %get3A = arith.constant 0 : index
    %get3A_2 = arith.constant 0 : index
    %get3A_3 = vector.load %arg1[%get3A, %get3A_2] : memref<400x128xf32, #tpu.memory_space<vmem>>, vector<400x128xf32>
    %get3A_4 = arith.constant 0 : index
    %get3A_5 = arith.constant 0 : index
    %get3A_6 = vector.load %arg2[%get3A_4, %get3A_5] : memref<400x128xf32, #tpu.memory_space<vmem>>, vector<400x128xf32>
    %get3A_7 = arith.constant 0 : index
    %get3A_8 = arith.constant 0 : index
    %get3A_9 = vector.load %arg3[%get3A_7, %get3A_8] : memref<400x128xf32, #tpu.memory_space<vmem>>, vector<400x128xf32>
    %add3A = arith.addf %get3A_3, %get3A_9 : vector<400x128xf32>
    %mul3A = arith.constant 5.000000e-01 : f32
    %mul3A_10 = vector.broadcast %mul3A : f32 to vector<400x128xf32>
    %mul3A_11 = arith.mulf %mul3A_10, %add3A : vector<400x128xf32>
    %get3A_12 = arith.constant 0 : index
    %get3A_13 = arith.constant 0 : index
    %get3A_14 = vector.load %arg19[%get3A_12, %get3A_13] : memref<2x128xf32, #tpu.memory_space<vmem>>, vector<1x128xf32>
    %sub3A = vector.broadcast %get3A_14 : vector<1x128xf32> to vector<400x128xf32>
    %sub3A_15 = arith.subf %mul3A_11, %sub3A : vector<400x128xf32>
    %sub3A_16 = arith.subf %get3A_6, %get3A_9 : vector<400x128xf32>
    %mul3A_17 = arith.constant 5.000000e-01 : f32
    %mul3A_18 = vector.broadcast %mul3A_17 : f32 to vector<400x128xf32>
    %mul3A_19 = arith.mulf %mul3A_18, %sub3A_16 : vector<400x128xf32>
    %get3A_20 = arith.constant 1 : index
    %get3A_21 = arith.constant 0 : index
    %get3A_22 = vector.load %arg19[%get3A_20, %get3A_21] : memref<2x128xf32, #tpu.memory_space<vmem>>, vector<1x128xf32>
    %sub3A_23 = vector.broadcast %get3A_22 : vector<1x128xf32> to vector<400x128xf32>
    %sub3A_24 = arith.subf %mul3A_19, %sub3A_23 : vector<400x128xf32>
    %convert_element_type3A_25 = arith.truncf %sub3A_15 : vector<400x128xf32> to vector<400x128xbf16>
    %convert_element_type3A_26 = arith.truncf %sub3A_24 : vector<400x128xf32> to vector<400x128xbf16>
    %get3A_27 = arith.constant 0 : index
    %get3A_28 = arith.constant 0 : index
    %get3A_29 = vector.load %arg20[%get3A_27, %get3A_28] : memref<128x128xf32, #tpu.memory_space<vmem>>, vector<128x128xf32>
    %dot_general3A = arith.constant dense<0.000000e+00> : vector<128x128xf32>
    %dot_general3A_30 = tpu.matmul %convert_element_type3A_25, %convert_element_type3A_25, %dot_general3A {dimension_numbers = #tpu.dot_dimension_numbers<[0], [0], [1], [1], [0, 1, 1, 1], [], []>, transpose_lhs_hint = false} : vector<400x128xbf16>, vector<400x128xbf16>, vector<128x128xf32> -> vector<128x128xf32>
    %add3A_31 = arith.addf %get3A_29, %dot_general3A_30 : vector<128x128xf32>
    %swap3A = arith.constant 0 : index
    %swap3A_32 = arith.constant 0 : index
    %swap3A_33 = vector.load %arg20[%swap3A, %swap3A_32] : memref<128x128xf32, #tpu.memory_space<vmem>>, vector<128x128xf32>
    tpu.vector_store %arg20[%swap3A, %swap3A_32], %add3A_31 {strides = array<i32>} : memref<128x128xf32, #tpu.memory_space<vmem>>, vector<128x128xf32>,
    %get3A_34 = arith.constant 0 : index
    %get3A_35 = arith.constant 0 : index
    %get3A_36 = vector.load %arg21[%get3A_34, %get3A_35] : memref<128x128xf32, #tpu.memory_space<vmem>>, vector<128x128xf32>
    %dot_general3A_37 = arith.constant dense<0.000000e+00> : vector<128x128xf32>
    %dot_general3A_38 = tpu.matmul %convert_element_type3A_26, %convert_element_type3A_26, %dot_general3A_37 {dimension_numbers = #tpu.dot_dimension_numbers<[0], [0], [1], [1], [0, 1, 1, 1], [], []>, transpose_lhs_hint = false} : vector<400x128xbf16>, vector<400x128xbf16>, vector<128x128xf32> -> vector<128x128xf32>
    %add3A_39 = arith.addf %get3A_36, %dot_general3A_38 : vector<128x128xf32>
    %swap3A_40 = arith.constant 0 : index
    %swap3A_41 = arith.constant 0 : index
    %swap3A_42 = vector.load %arg21[%swap3A_40, %swap3A_41] : memref<128x128xf32, #tpu.memory_space<vmem>>, vector<128x128xf32>
    tpu.vector_store %arg21[%swap3A_40, %swap3A_41], %add3A_39 {strides = array<i32>} : memref<128x128xf32, #tpu.memory_space<vmem>>, vector<128x128xf32>,
    %eq3A_43 = arith.constant 24 : i32
    %eq3A_44 = arith.cmpi eq, %arg0, %eq3A_43 : i32
    %convert_element_type3A_45 = arith.extui %eq3A_44 : i1 to i32
    %cond3A_46 = arith.constant 0 : i32
    %cond3A_47 = arith.cmpi ne, %convert_element_type3A_45, %cond3A_46 : i32
    scf.if %cond3A_47 {
      %get3A_48 = arith.constant 0 : index
      %get3A_49 = arith.constant 0 : index
      %get3A_50 = vector.load %arg19[%get3A_48, %get3A_49] : memref<2x128xf32, #tpu.memory_space<vmem>>, vector<1x128xf32>
      %get3A_51 = arith.constant 1 : index
      %get3A_52 = arith.constant 0 : index
      %get3A_53 = vector.load %arg19[%get3A_51, %get3A_52] : memref<2x128xf32, #tpu.memory_space<vmem>>, vector<1x128xf32>
      %get3A_54 = arith.constant 0 : index
      %get3A_55 = arith.constant 0 : index
      %get3A_56 = vector.load %arg7[%get3A_54, %get3A_55] : memref<128x128xf32, #tpu.memory_space<vmem>>, vector<128x128xf32>
      %get3A_57 = arith.constant 0 : index
      %get3A_58 = arith.constant 0 : index
      %get3A_59 = vector.load %arg8[%get3A_57, %get3A_58] : memref<128x128xf32, #tpu.memory_space<vmem>>, vector<128x128xf32>
      %dot_general3A_60 = arith.constant dense<0.000000e+00> : vector<1x128xf32>
      %dot_general3A_61 = tpu.matmul %get3A_50, %get3A_56, %dot_general3A_60 {dimension_numbers = #tpu.dot_dimension_numbers<[1], [0], [0], [1], [0, 0, 1, 1], [], []>, transpose_lhs_hint = false} : vector<1x128xf32>, vector<128x128xf32>, vector<1x128xf32> -> vector<1x128xf32>
      %get3A_62 = arith.constant 0 : index
      %get3A_63 = arith.constant 0 : index
      %get3A_64 = vector.load %arg20[%get3A_62, %get3A_63] : memref<128x128xf32, #tpu.memory_space<vmem>>, vector<128x128xf32>
      %dot_general3A_65 = arith.constant dense<0.000000e+00> : vector<128x128xf32>
      %dot_general3A_66 = tpu.matmul %get3A_64, %get3A_56, %dot_general3A_65 {dimension_numbers = #tpu.dot_dimension_numbers<[1], [0], [0], [1], [0, 0, 1, 1], [], []>, transpose_lhs_hint = false} : vector<128x128xf32>, vector<128x128xf32>, vector<128x128xf32> -> vector<128x128xf32>
      %mul3A_67 = arith.mulf %dot_general3A_66, %get3A_56 : vector<128x128xf32>
      %reduce_sum3A = arith.constant dense<0.000000e+00> : vector<128xf32>
      %reduce_sum3A_68 = vector.multi_reduction <add>, %mul3A_67, %reduce_sum3A [0] : vector<128x128xf32> to vector<128xf32>
      %broadcast_in_dim3A = vector.shape_cast %reduce_sum3A_68 : vector<128xf32> to vector<1x128xf32>
      %mul3A_69 = arith.constant 9.99999974E-5 : f32
      %mul3A_70 = vector.broadcast %mul3A_69 : f32 to vector<1x128xf32>
      %mul3A_71 = arith.mulf %broadcast_in_dim3A, %mul3A_70 : vector<1x128xf32>
      %get3A_72 = arith.constant 0 : index
      %get3A_73 = arith.constant 0 : index
      %get3A_74 = vector.load %arg9[%get3A_72, %get3A_73] : memref<1x128xf32, #tpu.memory_space<vmem>>, vector<1x128xf32>
      %add3A_75 = arith.constant 9.99999974E-6 : f32
      %add3A_76 = vector.broadcast %add3A_75 : f32 to vector<1x128xf32>
      %add3A_77 = arith.addf %mul3A_71, %add3A_76 : vector<1x128xf32>
      %sqrt3A = math.sqrt %add3A_77 : vector<1x128xf32>
      %div3A = arith.divf %get3A_74, %sqrt3A : vector<1x128xf32>
      %dot_general3A_78 = arith.constant dense<0.000000e+00> : vector<1x128xf32>
      %dot_general3A_79 = tpu.matmul %get3A_53, %get3A_59, %dot_general3A_78 {dimension_numbers = #tpu.dot_dimension_numbers<[1], [0], [0], [1], [0, 0, 1, 1], [], []>, transpose_lhs_hint = false} : vector<1x128xf32>, vector<128x128xf32>, vector<1x128xf32> -> vector<1x128xf32>
      %get3A_80 = arith.constant 0 : index
      %get3A_81 = arith.constant 0 : index
      %get3A_82 = vector.load %arg21[%get3A_80, %get3A_81] : memref<128x128xf32, #tpu.memory_space<vmem>>, vector<128x128xf32>
      %dot_general3A_83 = arith.constant dense<0.000000e+00> : vector<128x128xf32>
      %dot_general3A_84 = tpu.matmul %get3A_82, %get3A_59, %dot_general3A_83 {dimension_numbers = #tpu.dot_dimension_numbers<[1], [0], [0], [1], [0, 0, 1, 1], [], []>, transpose_lhs_hint = false} : vector<128x128xf32>, vector<128x128xf32>, vector<128x128xf32> -> vector<128x128xf32>
      %mul3A_85 = arith.mulf %dot_general3A_84, %get3A_59 : vector<128x128xf32>
      %reduce_sum3A_86 = arith.constant dense<0.000000e+00> : vector<128xf32>
      %reduce_sum3A_87 = vector.multi_reduction <add>, %mul3A_85, %reduce_sum3A_86 [0] : vector<128x128xf32> to vector<128xf32>
      %broadcast_in_dim3A_88 = vector.shape_cast %reduce_sum3A_87 : vector<128xf32> to vector<1x128xf32>
      %mul3A_89 = arith.constant 9.99999974E-5 : f32
      %mul3A_90 = vector.broadcast %mul3A_89 : f32 to vector<1x128xf32>
      %mul3A_91 = arith.mulf %broadcast_in_dim3A_88, %mul3A_90 : vector<1x128xf32>
      %get3A_92 = arith.constant 0 : index
      %get3A_93 = arith.constant 0 : index
      %get3A_94 = vector.load %arg11[%get3A_92, %get3A_93] : memref<1x128xf32, #tpu.memory_space<vmem>>, vector<1x128xf32>
      %add3A_95 = arith.constant 9.99999974E-6 : f32
      %add3A_96 = vector.broadcast %add3A_95 : f32 to vector<1x128xf32>
      %add3A_97 = arith.addf %mul3A_91, %add3A_96 : vector<1x128xf32>
      %sqrt3A_98 = math.sqrt %add3A_97 : vector<1x128xf32>
      %div3A_99 = arith.divf %get3A_94, %sqrt3A_98 : vector<1x128xf32>
      %get3A_100 = arith.constant 0 : index
      %get3A_101 = arith.constant 0 : index
      %get3A_102 = vector.load %arg13[%get3A_100, %get3A_101] : memref<128x128xf32, #tpu.memory_space<vmem>>, vector<128x128xf32>
      %get3A_103 = arith.constant 0 : index
      %get3A_104 = arith.constant 0 : index
      %get3A_105 = vector.load %arg14[%get3A_103, %get3A_104] : memref<128x128xf32, #tpu.memory_space<vmem>>, vector<128x128xf32>
      %mul3A_106 = vector.broadcast %div3A : vector<1x128xf32> to vector<128x128xf32>
      %mul3A_107 = arith.mulf %get3A_56, %mul3A_106 : vector<128x128xf32>
      %dot_general3A_108 = arith.constant dense<0.000000e+00> : vector<128x128xf32>
      %dot_general3A_109 = tpu.matmul %mul3A_107, %get3A_102, %dot_general3A_108 {dimension_numbers = #tpu.dot_dimension_numbers<[1], [0], [0], [1], [0, 0, 1, 1], [], []>, transpose_lhs_hint = false} : vector<128x128xf32>, vector<128x128xf32>, vector<128x128xf32> -> vector<128x128xf32>
      %mul3A_110 = arith.constant 5.000000e-01 : f32
      %mul3A_111 = vector.broadcast %mul3A_110 : f32 to vector<128x128xf32>
      %mul3A_112 = arith.mulf %mul3A_111, %dot_general3A_109 : vector<128x128xf32>
      %swap3A_113 = arith.constant 0 : index
      %swap3A_114 = arith.constant 0 : index
      %swap3A_115 = vector.load %arg16[%swap3A_113, %swap3A_114] : memref<128x128xf32, #tpu.memory_space<vmem>>, vector<128x128xf32>
      tpu.vector_store %arg16[%swap3A_113, %swap3A_114], %mul3A_112 {strides = array<i32>} : memref<128x128xf32, #tpu.memory_space<vmem>>, vector<128x128xf32>,
      %mul3A_116 = vector.broadcast %div3A_99 : vector<1x128xf32> to vector<128x128xf32>
      %mul3A_117 = arith.mulf %get3A_59, %mul3A_116 : vector<128x128xf32>
      %dot_general3A_118 = arith.constant dense<0.000000e+00> : vector<128x128xf32>
      %dot_general3A_119 = tpu.matmul %mul3A_117, %get3A_105, %dot_general3A_118 {dimension_numbers = #tpu.dot_dimension_numbers<[1], [0], [0], [1], [0, 0, 1, 1], [], []>, transpose_lhs_hint = false} : vector<128x128xf32>, vector<128x128xf32>, vector<128x128xf32> -> vector<128x128xf32>
      %mul3A_120 = arith.constant 5.000000e-01 : f32
      %mul3A_121 = vector.broadcast %mul3A_120 : f32 to vector<128x128xf32>
      %mul3A_122 = arith.mulf %mul3A_121, %dot_general3A_119 : vector<128x128xf32>
      %swap3A_123 = arith.constant 0 : index
      %swap3A_124 = arith.constant 0 : index
      %swap3A_125 = vector.load %arg17[%swap3A_123, %swap3A_124] : memref<128x128xf32, #tpu.memory_space<vmem>>, vector<128x128xf32>
      tpu.vector_store %arg17[%swap3A_123, %swap3A_124], %mul3A_122 {strides = array<i32>} : memref<128x128xf32, #tpu.memory_space<vmem>>, vector<128x128xf32>,
      %get3A_126 = arith.constant 0 : index
      %get3A_127 = arith.constant 0 : index
      %get3A_128 = vector.load %arg10[%get3A_126, %get3A_127] : memref<1x128xf32, #tpu.memory_space<vmem>>, vector<1x128xf32>
      %mul3A_129 = arith.mulf %dot_general3A_61, %div3A : vector<1x128xf32>
      %sub3A_130 = arith.subf %get3A_128, %mul3A_129 : vector<1x128xf32>
      %dot_general3A_131 = arith.constant dense<0.000000e+00> : vector<1x128xf32>
      %dot_general3A_132 = tpu.matmul %sub3A_130, %get3A_102, %dot_general3A_131 {dimension_numbers = #tpu.dot_dimension_numbers<[1], [0], [0], [1], [0, 0, 1, 1], [], []>, transpose_lhs_hint = false} : vector<1x128xf32>, vector<128x128xf32>, vector<1x128xf32> -> vector<1x128xf32>
      %get3A_133 = arith.constant 0 : index
      %get3A_134 = arith.constant 0 : index
      %get3A_135 = vector.load %arg12[%get3A_133, %get3A_134] : memref<1x128xf32, #tpu.memory_space<vmem>>, vector<1x128xf32>
      %mul3A_136 = arith.mulf %dot_general3A_79, %div3A_99 : vector<1x128xf32>
      %sub3A_137 = arith.subf %get3A_135, %mul3A_136 : vector<1x128xf32>
      %dot_general3A_138 = arith.constant dense<0.000000e+00> : vector<1x128xf32>
      %dot_general3A_139 = tpu.matmul %sub3A_137, %get3A_105, %dot_general3A_138 {dimension_numbers = #tpu.dot_dimension_numbers<[1], [0], [0], [1], [0, 0, 1, 1], [], []>, transpose_lhs_hint = false} : vector<1x128xf32>, vector<128x128xf32>, vector<1x128xf32> -> vector<1x128xf32>
      %add3A_140 = arith.addf %dot_general3A_132, %dot_general3A_139 : vector<1x128xf32>
      %get3A_141 = arith.constant 0 : index
      %get3A_142 = arith.constant 0 : index
      %get3A_143 = vector.load %arg15[%get3A_141, %get3A_142] : memref<1x128xf32, #tpu.memory_space<vmem>>, vector<1x128xf32>
      %add3A_144 = arith.addf %add3A_140, %get3A_143 : vector<1x128xf32>
      %swap3A_145 = arith.constant 0 : index
      %swap3A_146 = arith.constant 0 : index
      %swap3A_147 = vector.load %arg18[%swap3A_145, %swap3A_146] : memref<1x128xf32, #tpu.memory_space<vmem>>, vector<1x128xf32>
      tpu.vector_store %arg18[%swap3A_145, %swap3A_146], %add3A_144 {strides = array<i32>} : memref<1x128xf32, #tpu.memory_space<vmem>>, vector<1x128xf32>,
    } else {
    }
    return
  }
  func.func @transform_0(%arg0: i32) -> (i32, i32) {
    %c0_i32 = arith.constant 0 : i32
    %c0_i32_0 = arith.constant 0 : i32
    return %arg0, %c0_i32 : i32, i32
  }
  func.func @transform_1(%arg0: i32) -> (i32, i32) {
    %c0_i32 = arith.constant 0 : i32
    %c0_i32_0 = arith.constant 0 : i32
    return %arg0, %c0_i32 : i32, i32
  }
  func.func @transform_2(%arg0: i32) -> (i32, i32) {
    %c0_i32 = arith.constant 0 : i32
    %c0_i32_0 = arith.constant 0 : i32
    return %arg0, %c0_i32 : i32, i32
  }
  func.func @transform_3(%arg0: i32) -> (i32, i32) {
    %c0_i32 = arith.constant 0 : i32
    %c0_i32_0 = arith.constant 0 : i32
    %c0_i32_1 = arith.constant 0 : i32
    return %c0_i32, %c0_i32_0 : i32, i32
  }
  func.func @transform_4(%arg0: i32) -> (i32, i32) {
    %c0_i32 = arith.constant 0 : i32
    %c0_i32_0 = arith.constant 0 : i32
    %c0_i32_1 = arith.constant 0 : i32
    return %c0_i32, %c0_i32_0 : i32, i32
  }
  func.func @transform_5(%arg0: i32) -> (i32, i32) {
    %c0_i32 = arith.constant 0 : i32
    %c0_i32_0 = arith.constant 0 : i32
    %c0_i32_1 = arith.constant 0 : i32
    return %c0_i32, %c0_i32_0 : i32, i32
  }
  func.func @transform_6(%arg0: i32) -> (i32, i32) {
    %c0_i32 = arith.constant 0 : i32
    %c0_i32_0 = arith.constant 0 : i32
    %c0_i32_1 = arith.constant 0 : i32
    return %c0_i32, %c0_i32_0 : i32, i32
  }
  func.func @transform_7(%arg0: i32) -> (i32, i32) {
    %c0_i32 = arith.constant 0 : i32
    %c0_i32_0 = arith.constant 0 : i32
    %c0_i32_1 = arith.constant 0 : i32
    return %c0_i32, %c0_i32_0 : i32, i32
  }
  func.func @transform_8(%arg0: i32) -> (i32, i32) {
    %c0_i32 = arith.constant 0 : i32
    %c0_i32_0 = arith.constant 0 : i32
    %c0_i32_1 = arith.constant 0 : i32
    return %c0_i32, %c0_i32_0 : i32, i32
  }
  func.func @transform_9(%arg0: i32) -> (i32, i32) {
    %c0_i32 = arith.constant 0 : i32
    %c0_i32_0 = arith.constant 0 : i32
    %c0_i32_1 = arith.constant 0 : i32
    return %c0_i32, %c0_i32_0 : i32, i32
  }
  func.func @transform_10(%arg0: i32) -> (i32, i32) {
    %c0_i32 = arith.constant 0 : i32
    %c0_i32_0 = arith.constant 0 : i32
    %c0_i32_1 = arith.constant 0 : i32
    return %c0_i32, %c0_i32_0 : i32, i32
  }
  func.func @transform_11(%arg0: i32) -> (i32, i32) {
    %c0_i32 = arith.constant 0 : i32
    %c0_i32_0 = arith.constant 0 : i32
    %c0_i32_1 = arith.constant 0 : i32
    return %c0_i32, %c0_i32_0 : i32, i32
  }
  func.func @transform_12(%arg0: i32) -> (i32, i32) {
    %c0_i32 = arith.constant 0 : i32
    %c0_i32_0 = arith.constant 0 : i32
    %c0_i32_1 = arith.constant 0 : i32
    return %c0_i32, %c0_i32_0 : i32, i32
  }
  func.func @transform_13(%arg0: i32) -> (i32, i32) {
    %c0_i32 = arith.constant 0 : i32
    %c0_i32_0 = arith.constant 0 : i32
    %c0_i32_1 = arith.constant 0 : i32
    return %c0_i32, %c0_i32_0 : i32, i32
  }
  func.func @transform_14(%arg0: i32) -> (i32, i32) {
    %c0_i32 = arith.constant 0 : i32
    %c0_i32_0 = arith.constant 0 : i32
    %c0_i32_1 = arith.constant 0 : i32
    return %c0_i32, %c0_i32_0 : i32, i32
  }
  func.func @transform_15(%arg0: i32) -> (i32, i32) {
    %c0_i32 = arith.constant 0 : i32
    %c0_i32_0 = arith.constant 0 : i32
    %c0_i32_1 = arith.constant 0 : i32
    return %c0_i32, %c0_i32_0 : i32, i32
  }
  func.func @transform_16(%arg0: i32) -> (i32, i32) {
    %c0_i32 = arith.constant 0 : i32
    %c0_i32_0 = arith.constant 0 : i32
    %c0_i32_1 = arith.constant 0 : i32
    return %c0_i32, %c0_i32_0 : i32, i32
  }
  func.func @transform_17(%arg0: i32) -> (i32, i32) {
    %c0_i32 = arith.constant 0 : i32
    %c0_i32_0 = arith.constant 0 : i32
    %c0_i32_1 = arith.constant 0 : i32
    return %c0_i32, %c0_i32_0 : i32, i32
  }
}

module attributes {stable_mosaic.version = 14 : i64} {
  func.func @_loss_body(%arg0: memref<6144x128xf32, #tpu.memory_space<vmem>>, %arg1: memref<6144x128xf32, #tpu.memory_space<vmem>>, %arg2: memref<6144x128xf32, #tpu.memory_space<vmem>>, %arg3: memref<128x128xf32, #tpu.memory_space<vmem>>, %arg4: memref<128x128xf32, #tpu.memory_space<vmem>>, %arg5: memref<1x128xf32, #tpu.memory_space<vmem>>, %arg6: memref<1x1xf32, #tpu.memory_space<vmem>>) attributes {dimension_semantics = [], scalar_prefetch = 0 : i64, scratch_operands = 0 : i64, tpu.core_type = #tpu.core_type<tc>} {
    %get3A = arith.constant 0 : index
    %get3A_0 = arith.constant 0 : index
    %get3A_1 = vector.load %arg2[%get3A, %get3A_0] : memref<6144x128xf32, #tpu.memory_space<vmem>>, vector<6144x128xf32>
    %get3A_2 = arith.constant 0 : index
    %get3A_3 = arith.constant 0 : index
    %get3A_4 = vector.load %arg0[%get3A_2, %get3A_3] : memref<6144x128xf32, #tpu.memory_space<vmem>>, vector<6144x128xf32>
    %add3A = arith.addf %get3A_4, %get3A_1 : vector<6144x128xf32>
    %get3A_5 = arith.constant 0 : index
    %get3A_6 = arith.constant 0 : index
    %get3A_7 = vector.load %arg3[%get3A_5, %get3A_6] : memref<128x128xf32, #tpu.memory_space<vmem>>, vector<128x128xf32>
    %dot_general3A = arith.constant dense<0.000000e+00> : vector<6144x128xf32>
    %dot_general3A_8 = tpu.matmul %add3A, %get3A_7, %dot_general3A {dimension_numbers = #tpu.dot_dimension_numbers<[1], [0], [0], [1], [0, 0, 1, 1], [], []>, transpose_lhs_hint = false} : vector<6144x128xf32>, vector<128x128xf32>, vector<6144x128xf32> -> vector<6144x128xf32>
    %get3A_9 = arith.constant 0 : index
    %get3A_10 = arith.constant 0 : index
    %get3A_11 = vector.load %arg1[%get3A_9, %get3A_10] : memref<6144x128xf32, #tpu.memory_space<vmem>>, vector<6144x128xf32>
    %sub3A = arith.subf %get3A_11, %get3A_1 : vector<6144x128xf32>
    %get3A_12 = arith.constant 0 : index
    %get3A_13 = arith.constant 0 : index
    %get3A_14 = vector.load %arg4[%get3A_12, %get3A_13] : memref<128x128xf32, #tpu.memory_space<vmem>>, vector<128x128xf32>
    %dot_general3A_15 = arith.constant dense<0.000000e+00> : vector<6144x128xf32>
    %dot_general3A_16 = tpu.matmul %sub3A, %get3A_14, %dot_general3A_15 {dimension_numbers = #tpu.dot_dimension_numbers<[1], [0], [0], [1], [0, 0, 1, 1], [], []>, transpose_lhs_hint = false} : vector<6144x128xf32>, vector<128x128xf32>, vector<6144x128xf32> -> vector<6144x128xf32>
    %add3A_17 = arith.addf %dot_general3A_8, %dot_general3A_16 : vector<6144x128xf32>
    %get3A_18 = arith.constant 0 : index
    %get3A_19 = arith.constant 0 : index
    %get3A_20 = vector.load %arg5[%get3A_18, %get3A_19] : memref<1x128xf32, #tpu.memory_space<vmem>>, vector<1x128xf32>
    %add3A_21 = vector.broadcast %get3A_20 : vector<1x128xf32> to vector<6144x128xf32>
    %add3A_22 = arith.addf %add3A_17, %add3A_21 : vector<6144x128xf32>
    %slice3A = vector.extract_strided_slice %add3A_22 {offsets = [0, 0], sizes = [1024, 128], strides = [1, 1]} : vector<6144x128xf32> to vector<1024x128xf32>
    %slice3A_23 = vector.extract_strided_slice %add3A_22 {offsets = [1024, 0], sizes = [1024, 128], strides = [1, 1]} : vector<6144x128xf32> to vector<1024x128xf32>
    %mul3A = arith.mulf %slice3A, %slice3A_23 : vector<1024x128xf32>
    %reduce_sum3A = arith.constant dense<0.000000e+00> : vector<1024xf32>
    %reduce_sum3A_24 = vector.multi_reduction <add>, %mul3A, %reduce_sum3A [1] : vector<1024x128xf32> to vector<1024xf32>
    %broadcast_in_dim3A = vector.shape_cast %reduce_sum3A_24 : vector<1024xf32> to vector<1024x1xf32>
    %broadcast_in_dim3A_25 = arith.constant 0.000000e+00 : f32
    %broadcast_in_dim3A_26 = vector.broadcast %broadcast_in_dim3A_25 : f32 to vector<1x1xf32>
    %slice3A_27 = vector.extract_strided_slice %add3A_22 {offsets = [2048, 0], sizes = [1024, 128], strides = [1, 1]} : vector<6144x128xf32> to vector<1024x128xf32>
    %mul3A_28 = arith.mulf %slice3A, %slice3A_27 : vector<1024x128xf32>
    %reduce_sum3A_29 = arith.constant dense<0.000000e+00> : vector<1024xf32>
    %reduce_sum3A_30 = vector.multi_reduction <add>, %mul3A_28, %reduce_sum3A_29 [1] : vector<1024x128xf32> to vector<1024xf32>
    %broadcast_in_dim3A_31 = vector.shape_cast %reduce_sum3A_30 : vector<1024xf32> to vector<1024x1xf32>
    %sub3A_32 = arith.subf %broadcast_in_dim3A, %broadcast_in_dim3A_31 : vector<1024x1xf32>
    %neg3A = arith.constant 0.000000e+00 : f32
    %neg3A_33 = vector.broadcast %neg3A : f32 to vector<1024x1xf32>
    %neg3A_34 = arith.subf %neg3A_33, %sub3A_32 : vector<1024x1xf32>
    %exp3A = math.exp %neg3A_34 : vector<1024x1xf32>
    %add3A_35 = arith.constant 1.000000e+00 : f32
    %add3A_36 = vector.broadcast %add3A_35 : f32 to vector<1024x1xf32>
    %add3A_37 = arith.addf %add3A_36, %exp3A : vector<1024x1xf32>
    %div3A = arith.constant 1.000000e+00 : f32
    %div3A_38 = vector.broadcast %div3A : f32 to vector<1024x1xf32>
    %div3A_39 = arith.divf %div3A_38, %add3A_37 : vector<1024x1xf32>
    %add3A_40 = arith.constant 9.99999971E-10 : f32
    %add3A_41 = vector.broadcast %add3A_40 : f32 to vector<1024x1xf32>
    %add3A_42 = arith.addf %div3A_39, %add3A_41 : vector<1024x1xf32>
    %log3A = math.log %add3A_42 : vector<1024x1xf32>
    %reduce_sum3A_43 = vector.shape_cast %log3A : vector<1024x1xf32> to vector<1x1024x1xf32>
    %reduce_sum3A_44 = arith.constant dense<0.000000e+00> : vector<1xf32>
    %reduce_sum3A_45 = vector.multi_reduction <add>, %reduce_sum3A_43, %reduce_sum3A_44 [1, 2] : vector<1x1024x1xf32> to vector<1xf32>
    %reduce_sum3A_46 = vector.shape_cast %reduce_sum3A_45 : vector<1xf32> to vector<1x1x1xf32>
    %reduce_sum3A_47 = vector.extract %reduce_sum3A_46[0, 0, 0] : f32 from vector<1x1x1xf32>
    %add3A_48 = vector.broadcast %reduce_sum3A_47 : f32 to vector<1x1xf32>
    %add3A_49 = arith.addf %broadcast_in_dim3A_26, %add3A_48 : vector<1x1xf32>
    %slice3A_50 = vector.extract_strided_slice %add3A_22 {offsets = [3072, 0], sizes = [1024, 128], strides = [1, 1]} : vector<6144x128xf32> to vector<1024x128xf32>
    %mul3A_51 = arith.mulf %slice3A, %slice3A_50 : vector<1024x128xf32>
    %reduce_sum3A_52 = arith.constant dense<0.000000e+00> : vector<1024xf32>
    %reduce_sum3A_53 = vector.multi_reduction <add>, %mul3A_51, %reduce_sum3A_52 [1] : vector<1024x128xf32> to vector<1024xf32>
    %broadcast_in_dim3A_54 = vector.shape_cast %reduce_sum3A_53 : vector<1024xf32> to vector<1024x1xf32>
    %sub3A_55 = arith.subf %broadcast_in_dim3A, %broadcast_in_dim3A_54 : vector<1024x1xf32>
    %neg3A_56 = arith.constant 0.000000e+00 : f32
    %neg3A_57 = vector.broadcast %neg3A_56 : f32 to vector<1024x1xf32>
    %neg3A_58 = arith.subf %neg3A_57, %sub3A_55 : vector<1024x1xf32>
    %exp3A_59 = math.exp %neg3A_58 : vector<1024x1xf32>
    %add3A_60 = arith.constant 1.000000e+00 : f32
    %add3A_61 = vector.broadcast %add3A_60 : f32 to vector<1024x1xf32>
    %add3A_62 = arith.addf %add3A_61, %exp3A_59 : vector<1024x1xf32>
    %div3A_63 = arith.constant 1.000000e+00 : f32
    %div3A_64 = vector.broadcast %div3A_63 : f32 to vector<1024x1xf32>
    %div3A_65 = arith.divf %div3A_64, %add3A_62 : vector<1024x1xf32>
    %add3A_66 = arith.constant 9.99999971E-10 : f32
    %add3A_67 = vector.broadcast %add3A_66 : f32 to vector<1024x1xf32>
    %add3A_68 = arith.addf %div3A_65, %add3A_67 : vector<1024x1xf32>
    %log3A_69 = math.log %add3A_68 : vector<1024x1xf32>
    %reduce_sum3A_70 = vector.shape_cast %log3A_69 : vector<1024x1xf32> to vector<1x1024x1xf32>
    %reduce_sum3A_71 = arith.constant dense<0.000000e+00> : vector<1xf32>
    %reduce_sum3A_72 = vector.multi_reduction <add>, %reduce_sum3A_70, %reduce_sum3A_71 [1, 2] : vector<1x1024x1xf32> to vector<1xf32>
    %reduce_sum3A_73 = vector.shape_cast %reduce_sum3A_72 : vector<1xf32> to vector<1x1x1xf32>
    %reduce_sum3A_74 = vector.extract %reduce_sum3A_73[0, 0, 0] : f32 from vector<1x1x1xf32>
    %add3A_75 = vector.broadcast %reduce_sum3A_74 : f32 to vector<1x1xf32>
    %add3A_76 = arith.addf %add3A_49, %add3A_75 : vector<1x1xf32>
    %slice3A_77 = vector.extract_strided_slice %add3A_22 {offsets = [4096, 0], sizes = [1024, 128], strides = [1, 1]} : vector<6144x128xf32> to vector<1024x128xf32>
    %mul3A_78 = arith.mulf %slice3A, %slice3A_77 : vector<1024x128xf32>
    %reduce_sum3A_79 = arith.constant dense<0.000000e+00> : vector<1024xf32>
    %reduce_sum3A_80 = vector.multi_reduction <add>, %mul3A_78, %reduce_sum3A_79 [1] : vector<1024x128xf32> to vector<1024xf32>
    %broadcast_in_dim3A_81 = vector.shape_cast %reduce_sum3A_80 : vector<1024xf32> to vector<1024x1xf32>
    %sub3A_82 = arith.subf %broadcast_in_dim3A, %broadcast_in_dim3A_81 : vector<1024x1xf32>
    %neg3A_83 = arith.constant 0.000000e+00 : f32
    %neg3A_84 = vector.broadcast %neg3A_83 : f32 to vector<1024x1xf32>
    %neg3A_85 = arith.subf %neg3A_84, %sub3A_82 : vector<1024x1xf32>
    %exp3A_86 = math.exp %neg3A_85 : vector<1024x1xf32>
    %add3A_87 = arith.constant 1.000000e+00 : f32
    %add3A_88 = vector.broadcast %add3A_87 : f32 to vector<1024x1xf32>
    %add3A_89 = arith.addf %add3A_88, %exp3A_86 : vector<1024x1xf32>
    %div3A_90 = arith.constant 1.000000e+00 : f32
    %div3A_91 = vector.broadcast %div3A_90 : f32 to vector<1024x1xf32>
    %div3A_92 = arith.divf %div3A_91, %add3A_89 : vector<1024x1xf32>
    %add3A_93 = arith.constant 9.99999971E-10 : f32
    %add3A_94 = vector.broadcast %add3A_93 : f32 to vector<1024x1xf32>
    %add3A_95 = arith.addf %div3A_92, %add3A_94 : vector<1024x1xf32>
    %log3A_96 = math.log %add3A_95 : vector<1024x1xf32>
    %reduce_sum3A_97 = vector.shape_cast %log3A_96 : vector<1024x1xf32> to vector<1x1024x1xf32>
    %reduce_sum3A_98 = arith.constant dense<0.000000e+00> : vector<1xf32>
    %reduce_sum3A_99 = vector.multi_reduction <add>, %reduce_sum3A_97, %reduce_sum3A_98 [1, 2] : vector<1x1024x1xf32> to vector<1xf32>
    %reduce_sum3A_100 = vector.shape_cast %reduce_sum3A_99 : vector<1xf32> to vector<1x1x1xf32>
    %reduce_sum3A_101 = vector.extract %reduce_sum3A_100[0, 0, 0] : f32 from vector<1x1x1xf32>
    %add3A_102 = vector.broadcast %reduce_sum3A_101 : f32 to vector<1x1xf32>
    %add3A_103 = arith.addf %add3A_76, %add3A_102 : vector<1x1xf32>
    %slice3A_104 = vector.extract_strided_slice %add3A_22 {offsets = [5120, 0], sizes = [1024, 128], strides = [1, 1]} : vector<6144x128xf32> to vector<1024x128xf32>
    %mul3A_105 = arith.mulf %slice3A, %slice3A_104 : vector<1024x128xf32>
    %reduce_sum3A_106 = arith.constant dense<0.000000e+00> : vector<1024xf32>
    %reduce_sum3A_107 = vector.multi_reduction <add>, %mul3A_105, %reduce_sum3A_106 [1] : vector<1024x128xf32> to vector<1024xf32>
    %broadcast_in_dim3A_108 = vector.shape_cast %reduce_sum3A_107 : vector<1024xf32> to vector<1024x1xf32>
    %sub3A_109 = arith.subf %broadcast_in_dim3A, %broadcast_in_dim3A_108 : vector<1024x1xf32>
    %neg3A_110 = arith.constant 0.000000e+00 : f32
    %neg3A_111 = vector.broadcast %neg3A_110 : f32 to vector<1024x1xf32>
    %neg3A_112 = arith.subf %neg3A_111, %sub3A_109 : vector<1024x1xf32>
    %exp3A_113 = math.exp %neg3A_112 : vector<1024x1xf32>
    %add3A_114 = arith.constant 1.000000e+00 : f32
    %add3A_115 = vector.broadcast %add3A_114 : f32 to vector<1024x1xf32>
    %add3A_116 = arith.addf %add3A_115, %exp3A_113 : vector<1024x1xf32>
    %div3A_117 = arith.constant 1.000000e+00 : f32
    %div3A_118 = vector.broadcast %div3A_117 : f32 to vector<1024x1xf32>
    %div3A_119 = arith.divf %div3A_118, %add3A_116 : vector<1024x1xf32>
    %add3A_120 = arith.constant 9.99999971E-10 : f32
    %add3A_121 = vector.broadcast %add3A_120 : f32 to vector<1024x1xf32>
    %add3A_122 = arith.addf %div3A_119, %add3A_121 : vector<1024x1xf32>
    %log3A_123 = math.log %add3A_122 : vector<1024x1xf32>
    %reduce_sum3A_124 = vector.shape_cast %log3A_123 : vector<1024x1xf32> to vector<1x1024x1xf32>
    %reduce_sum3A_125 = arith.constant dense<0.000000e+00> : vector<1xf32>
    %reduce_sum3A_126 = vector.multi_reduction <add>, %reduce_sum3A_124, %reduce_sum3A_125 [1, 2] : vector<1x1024x1xf32> to vector<1xf32>
    %reduce_sum3A_127 = vector.shape_cast %reduce_sum3A_126 : vector<1xf32> to vector<1x1x1xf32>
    %reduce_sum3A_128 = vector.extract %reduce_sum3A_127[0, 0, 0] : f32 from vector<1x1x1xf32>
    %add3A_129 = vector.broadcast %reduce_sum3A_128 : f32 to vector<1x1xf32>
    %add3A_130 = arith.addf %add3A_103, %add3A_129 : vector<1x1xf32>
    %neg3A_131 = arith.constant 0.000000e+00 : f32
    %neg3A_132 = vector.broadcast %neg3A_131 : f32 to vector<1x1xf32>
    %neg3A_133 = arith.subf %neg3A_132, %add3A_130 : vector<1x1xf32>
    %div3A_134 = arith.constant 4.096000e+03 : f32
    %div3A_135 = vector.broadcast %div3A_134 : f32 to vector<1x1xf32>
    %div3A_136 = arith.divf %neg3A_133, %div3A_135 : vector<1x1xf32>
    %swap3A = arith.constant 0 : index
    %swap3A_137 = arith.constant 0 : index
    %swap3A_138 = vector.load %arg6[%swap3A, %swap3A_137] : memref<1x1xf32, #tpu.memory_space<vmem>>, vector<1x1xf32>
    tpu.vector_store %arg6[%swap3A, %swap3A_137], %div3A_136 {strides = array<i32>} : memref<1x1xf32, #tpu.memory_space<vmem>>, vector<1x1xf32>,
    return
  }
}

</mosaic_0001>

<sc_bundles>
// kernel: kernel.12.cloned.1.call-start
scs
__scs_entry_jumppad:
0x0: {  	(pc) =	sbr.rel $0x88, $3  }
0x1: {  	(tag) =	ssettag $0x0;
	lr =	simm.s32 $0x1  }
0x2: {  	[smem:$0x3F8E] =	sst lr;
	_ =	strace $0xD0000000  }
0x3: {  	_ = 	snop  }
0x4: {  	_ = 	snop  }
0x5: {  	_ = 	snop  }
0x6: {  	_ = 	snop  }
0x7: {  	_ = 	snop  }
__scs_overlays_trampoline_lowered:
0x8: {  	[smem:$0x3F9D] =	sst s0  }
0x9: {  	[smem:$0x3F9E] =	sst s1  }
0xa: {  	[smem:$0x3F9F] =	sst s2  }
0xb: {  	[smem:$0x3FA0] =	sst s3  }
0xc: {  	[smem:$0x3FA1] =	sst s4  }
0xd: {  	[smem:$0x3FA2] =	sst s5  }
0xe: {  	[smem:$0x3FA3] =	sst s6  }
0xf: {  	[smem:$0x3FA4] =	sst s7  }
0x10: {  	[smem:$0x3FA5] =	sst s8  }
0x11: {  	[smem:$0x3FA6] =	sst s9;
	s0 =	simm.s32 @!p0 $0x0  }
0x12: {  	s1 =	sld [smem:$0x3F8C];
	s0 =	simm.s32 @p0 $0x1  }
0x13: {  	[smem:$0x3FA7] =	sst s0;
	s0 =	simm.s32 @!p1 $0x0  }
0x14: {  	s2 =	sld [smem:$0x3F8B];
	s0 =	simm.s32 @p1 $0x1  }
0x15: {  	[smem:$0x3FA8] =	sst s0;
	s0 =	simm.s32 @!p2 $0x0  }
0x16: {  	s3 =	sld [smem:$0x3FDB];
	s0 =	simm.s32 @p2 $0x1  }
0x17: {  	s4 =	simm.s32 $0x1BF5;
	[smem:$0x3FAA] =	sst s0  }
0x18: {  	s0 =	sld [smem:$0x3F8D];
	_ =	swait.ge [sflag:s4], $0x0  }
0x19: {  	s7 =	sld [smem:$0x3F8E]  }
0x1a: {  	s8 =	sadd.s32 $0xFFFFE003, lr  }
0x1b: {  	s9 =	sadd.s32 $0xFFFFFEF7, lr;
	s5 =	simm.s32 $0xFFFFFFFF;
	p2 =	slt.u32 s8, $0xFFFFF086  }
0x1c: {  	p1 =	slt.u32 s9, $0xF7A;
	s5 =	simm.s32 @!p2 $0x0  }
0x1d: {  	s5 =	simm.s32 @p1 $0x1;
	p0 =	seq.s32 s7, s2  }
0x1e: {  	s7 =	smul.u32 @!p0 $0xF7A, s2;
	p2 =	seq.s32 @!p0 s5, $0x0  }
0x1f: {  	s9 =	smul.u32 $0xF7A, s1;
	s8 =	simm.s32 @!p0 $0x1BF5;
	p2 =	por !p2, p0  }
0x20: {  	[sflag:s8] =	ssyncset.s32 @!p0 $0xFFFFF086;
	s6 =	sadd.s32 @!p0 s3, s7;
	s7 =	simm.s32 @!p0 $0x108  }
0x21: {  	s3 =	sadd.s32 s3, s9;
	s6 =	sadd.s32 @!p0 $0x88, s6;
	s7 =	simm.s32 @p2 $0x1082  }
0x22: {  	[simem:s7], [sflag:s8] =	dma.local @!p0 [hbm:s6], $0xF7A  }
0x23: {  	s9 =	sor.u32 $0xD0000000, s2;
	s6 =	simm.s32 $0x108;
	_ =	swait.ge @!p0 [sflag:s8], $0x0  }
0x24: {  	s3 =	sadd.s32 $0x88, s3;
	s6 =	simm.s32 @!p1 $0x1082;
	[sflag:s4] =	ssyncset.s32 $0xFFFFF086  }
0x25: {  	[simem:s6], [sflag:s4] =	dma.local [hbm:s3], $0xF7A  }
0x26: {  	[smem:$0x3F8E] =	sst s1;
	(tag) =	ssettag s2;
	_ =	strace s9  }
0x27: {  	s1 =	sld [smem:$0x3F9E]  }
0x28: {  	s2 =	sld [smem:$0x3F9F]  }
0x29: {  	s4 =	sld [smem:$0x3FA1]  }
0x2a: {  	p0 =	seq.s32 s5, $0x0;
	s5 =	sld [smem:$0x3FA2]  }
0x2b: {  	s6 =	sld [smem:$0x3FA3]  }
0x2c: {  	s7 =	sld [smem:$0x3FA4]  }
0x2d: {  	s3 =	simm.s32 $0x108;
	s8 =	sld [smem:$0x3FA5]  }
0x2e: {  	s3 =	simm.s32 @!p0 $0x1082;
	s9 =	sld [smem:$0x3FA6]  }
0x2f: {  	lr =	sadd.s32 s0, s3;
	s0 =	sld [smem:$0x3F9D]  }
0x30: {  	s3 =	sld [smem:$0x3FA0]  }
0x31: {  	[smem:$0x3FA9] =	sst s10  }
0x32: {  	s10 =	sld [smem:$0x3FA7];
	_ =	sdelay $0x3  }
0x33: {  	p0 =	seq.s32 s10, $0x1;
	s10 =	sld [smem:$0x3FA9];
	_ =	sdelay $0x3  }
0x34: {  	[smem:$0x3FA9] =	sst s10  }
0x35: {  	s10 =	sld [smem:$0x3FA8];
	_ =	sdelay $0x3  }
0x36: {  	p1 =	seq.s32 s10, $0x1;
	s10 =	sld [smem:$0x3FA9];
	_ =	sdelay $0x3  }
0x37: {  	[smem:$0x3FA9] =	sst s10  }
0x38: {  	s10 =	sld [smem:$0x3FAA]  }
0x39: {  	_ = 	snop;
	(pc) =	sbr.ind lr, $3  }
0x3a: {  	_ = 	snop  }
0x3b: {  	_ = 	snop  }
0x3c: {  	p2 =	seq.s32 s10, $0x1;
	s10 =	sld [smem:$0x3FA9]  }
0x3d: {  	_ =	shalt  }
0x3e: {  	_ =	shalt  }
0x3f: {  	_ =	shalt  }
0x40: {  	_ =	shalt  }
0x41: {  	_ =	shalt  }
0x42: {  	_ =	shalt  }
0x43: {  	_ =	shalt  }
0x44: {  	_ =	shalt  }
0x45: {  	_ =	shalt  }
0x46: {  	_ =	shalt  }
0x47: {  	_ =	shalt  }
0x48: {  	_ =	shalt  }
0x49: {  	_ =	shalt  }
0x4a: {  	_ =	shalt  }
0x4b: {  	_ =	shalt  }
0x4c: {  	_ =	shalt  }
0x4d: {  	_ =	shalt  }
0x4e: {  	_ =	shalt  }
0x4f: {  	_ =	shalt  }
0x50: {  	_ =	shalt  }
0x51: {  	_ =	shalt  }
0x52: {  	_ =	shalt  }
0x53: {  	_ =	shalt  }
0x54: {  	_ =	shalt  }
0x55: {  	_ =	shalt  }
0x56: {  	_ =	shalt  }
0x57: {  	_ =	shalt  }
0x58: {  	_ =	shalt  }
0x59: {  	_ =	shalt  }
0x5a: {  	_ =	shalt  }
0x5b: {  	_ =	shalt  }
0x5c: {  	_ =	shalt  }
0x5d: {  	_ =	shalt  }
0x5e: {  	_ =	shalt  }
0x5f: {  	_ =	shalt  }
0x60: {  	_ =	shalt  }
0x61: {  	_ =	shalt  }
0x62: {  	_ =	shalt  }
0x63: {  	_ =	shalt  }
0x64: {  	_ =	shalt  }
0x65: {  	_ =	shalt  }
0x66: {  	_ =	shalt  }
0x67: {  	_ =	shalt  }
0x68: {  	_ =	shalt  }
0x69: {  	_ =	shalt  }
0x6a: {  	_ =	shalt  }
0x6b: {  	_ =	shalt  }
0x6c: {  	_ =	shalt  }
0x6d: {  	_ =	shalt  }
0x6e: {  	_ =	shalt  }
0x6f: {  	_ =	shalt  }
0x70: {  	_ =	shalt  }
0x71: {  	_ =	shalt  }
0x72: {  	_ =	shalt  }
0x73: {  	_ =	shalt  }
0x74: {  	_ =	shalt  }
0x75: {  	_ =	shalt  }
0x76: {  	_ =	shalt  }
0x77: {  	_ =	shalt  }
0x78: {  	_ =	shalt  }
0x79: {  	_ =	shalt  }
0x7a: {  	_ =	shalt  }
0x7b: {  	_ =	shalt  }
0x7c: {  	_ =	shalt  }
0x7d: {  	_ =	shalt  }
0x7e: {  	_ =	shalt  }
0x7f: {  	_ =	shalt  }
0x80: {  	_ =	shalt  }
0x81: {  	_ =	shalt  }
0x82: {  	_ =	shalt  }
0x83: {  	_ =	shalt  }
0x84: {  	_ =	shalt  }
0x85: {  	_ =	shalt  }
0x86: {  	_ =	shalt  }
0x87: {  	_ =	shalt  }
.Lfunc_end0:
.L_simem_size_0:
called_computation.1_lowered:
.L_overlay_start_0:
0x88: {  	s2 =	sld [smem:$0x3FD9]  }
0x89: {  	s3 =	sld [smem:$0x3FFE];
	_ =	sdelay $0x1  }
0x8a: {  	s1 =	srdreg.scid  }
0x8b: {  	s0 =	sand.u32 $0x1, s1  }
0x8c: {  	s16 =	sshll.u32 s0, $0xA;
	s2 =	sadd.s32 s3, s2  }
0x8d: {  	s2 =	sadd.s32 s2, s16  }
0x8e: {  	[smem:$0x3FB5] =	sst s2  }
0x8f: {  	_ = 	snop  }
0x90: {  	(tm) =	ssettm $0x1  }
0x91: {  	s17 =	sld [smem:$0x3FFB];
	_ =	sdelay $0x3  }
0x92: {  	_ =	strace s17  }
0x93: {  	s2 =	sld [smem:$0x3FFC];
	_ =	sdelay $0x3  }
0x94: {  	_ =	strace s2  }
0x95: {  	s2 =	sld [smem:$0x3FFD];
	_ =	sdelay $0x3  }
0x96: {  	_ =	strace s2  }
0x97: {  	_ =	strace $0x8FFFFFFF  }
0x98: {  	s18 =	sld [smem:$0x3FDB];
	_ =	sdelay $0x1  }
0x99: {  	s19 =	simm.s32 $_scs_section_size  }
0x9a: {  	s4 =	simm.s32 $_size__tile_overlayer_lowered;
	s5 =	simm.s32 $_tile_overlayer_lowered  }
0x9b: {  	s22 =	simm.s32 $0x1BFF;
	s21 =	sshll.u32 s5, $0x1;
	s2 =	sadd.s32 s19, s18  }
0x9c: {  	s6 =	simm.s32 $0x0;
	s20 =	sshll.u32 s4, $0x1;
	s4 =	sadd.s32 s21, s2  }
0x9d: {  	[timem:s6], [sflag:s22] =	dma.local [hbm:s4], s20  }
0x9e: {  	_ =	swait.ge [sflag:s22], s20  }
0x9f: {  	s3 =	ssub.s32 $0x0, s20;
	[sflag:s22] =	ssyncset.done $0x0  }
0xa0: {  	[sflag:s22] =	ssyncadd.s32 s3;
	_ =	sdelay $0x1  }
0xa1: {  	s23 =	simm.s32 $0x1B8B  }
0xa2: {  	_ =	swait.ge [sflag:s23], $0x1  }
0xa3: {  	[sflag:s23] =	ssyncset.done $0x0  }
0xa4: {  	s25 =	simm.s32 $0x1B8E;
	s24 =	sld [smem:$0x3FFE];
	[sflag:s23] =	ssyncadd.s32 $0xFFFFFFFF  }
0xa5: {  	s26 =	simm.s32 $execute0_lowered;
	[smem:$0x3FD2] =	sst s25  }
0xa6: {  	s4 =	sshll.u32 s26, $0x1;
	_ =	strace $0x80000046;
	[dreg:$0x1] =	wrdreg $0xFFFFFFFF  }
0xa7: {  	s28 =	simm.s32 $_size_execute0_lowered;
	s2 =	sadd.s32 s2, s4;
	[dreg:$0x0] =	wrdreg $0x0  }
0xa8: {  	s4 =	sshll.u32 s28, $0x1;
	[dreg:$0x2] =	wrdreg s2  }
0xa9: {  	[dreg:$0x3] =	wrdreg s4  }
0xaa: {  	[dreg:$0x4] =	wrdreg $0xC0  }
0xab: {  	_ =	task [dreg:s6], $0x5FFFF  }
0xac: {  	[dreg:$0x1] =	wrdreg $0xFFFFFFFF  }
0xad: {  	[dreg:$0x0] =	wrdreg $0x60  }
0xae: {  	[dreg:$0x2] =	wrdreg s24  }
0xaf: {  	[dreg:$0x3] =	wrdreg $0xA  }
0xb0: {  	_ =	task.clear_ibuf [dreg:s6], $0x4FFFF;
	_ =	strace $0x90000046  }
0xb1: {  	s29 =	simm.s32 $0xA;
	_ =	strace $0x80000048  }
0xb2: {  	_ =	swait.ge [sflag:s29], $0x1  }
0xb3: {  	[sflag:s29] =	ssyncadd.s32 $0xFFFFFFFF  }
0xb4: {  	_ =	strace $0x90000048  }
0xb5: {  	_ =	sfence  }
0xb6: {  	s30 =	sld [smem:$0x0];
	_ =	sdelay $0x2  }
0xb7: {  	s31 =	sshll.u32 s1, $0xD;
	s1 =	sshrl.u32 s1, $0x2  }
0xb8: {  	s3 =	sand.u32 $0x4000, s31;
	s1 =	sadd.s32 s1, s30  }
0xb9: {  	s0 =	sor.u32 s3, s0;
	s1 =	sshll.u32 s1, $0x11  }
0xba: {  	s0 =	sor.u32 s1, s0  }
0xbb: {  	s0 =	sadd.s32 $0x8F2B, s0  }
0xbc: {  	[sflag:s0] =	ssyncadd.remote.s32 $0x1  }
0xbd: {  	_ =	sfence.sel $0xFFFF  }
0xbe: {  	[dreg:$0x0] =	wrdreg $0xFFFFFFFF;
	(pc) =	sbr.abs _section_cstart, $3  }
0xbf: {  	[dreg:$0x1] =	wrdreg $0xFFFFFFFF  }
0xc0: {  	_ =	task.clear_ibuf [dreg:s6], $0x2FFFF;
	_ =	strace $0x9FFFFFFF  }
0xc1: {  	(tm) =	ssettm $0x7FFFFFFF  }
tec
execute0_lowered:
.L_overlay_start_1:
0x0: {  	(tag) =	ssettag $0x1  }
0x1: {  	s1 =	srdreg.scid;
	s0 =	stileid.u32  }
0x2: {  	s11 =	sand.u32 $0x1, s1;
	s26 =	sshll.u32 s0, $0x1  }
0x3: {  	s9 =	sor.u32 s11, s26  }
0x4: {  	s10 =	rddreg [dreg:$0x0];
	s12 =	smul.u32 $0xC0, s9  }
0x5: {  	s2 =	simm.s32 $0x0;
	s1 =	rddreg [dreg:$0x1]  }
0x6: {  	[smem:$0x7FF] =	sst s2;
	s13 =	sadd.s32 $0x6400, s10;
	s3 =	sshrl.u32 s12, $0x3  }
0x7: {  	_ =	strace $0x80000047;
	s4 =	sadd.s32 s13, s3;
	s3 =	simm.s32 $0x2  }
0x8: {  	[tilespmem:s2], [sflag:$0x2] =	stream.linear.gather [hbm4b:s4+s2], $0x60, $0x38;
	[tilespmem:$0x3080] =	vst v63  }
0x9: {  	_ =	swait.ge [sflag:s3], $0x60  }
0xa: {  	s6 =	simm.s32 $0x60;
	s7 =	simm.s32 $0x80;
	[sflag:s3] =	ssyncset.done $0x0  }
0xb: {  	s8 =	simm.s32 $0x1;
	s5 =	sadd.s32 $0x54C00, s10;
	[sflag:s3] =	ssyncadd.s32 $0xFFFFFFA0  }
0xc: {  	[tilespmem:s7], [sflag:$0x1] =	stream.indirect.gather [hbm4b:s5+s6], $0x80, s2, s6, $0xb8;
	[tilespmem:$0x3080] =	vst v63  }
0xd: {  	s9 =	smul.u32 $0xC00, s9;
	_ =	swait.ge [sflag:s8], $0x3000  }
0xe: {  	s14 =	sadd.s32 $0x7BE00, s10;
	[sflag:s8] =	ssyncset.done $0x0  }
0xf: {  	s9 =	sadd.s32 s14, s9;
	[sflag:s8] =	ssyncadd.s32 $0xFFFFD000  }
0x10: {  	[hbm4b:s9+s2] =	stream.linear.scatter [tilespmem:s7], [sflag:$0x2], $0x3000, $0x38;
	[tilespmem:$0x3080] =	vst v63  }
0x11: {  	s12 =	sadd.s32 $0x60, s12;
	_ =	swait.ge [sflag:s3], $0x3000  }
0x12: {  	s28 =	sshrl.u32 s12, $0x3;
	[sflag:s3] =	ssyncset.done $0x0  }
0x13: {  	s11 =	ssub.s32 $0x2, s11;
	s10 =	sadd.s32 s13, s28;
	[sflag:s3] =	ssyncadd.s32 $0xFFFFD000  }
0x14: {  	[tilespmem:s2], [sflag:$0x2] =	stream.linear.gather [hbm4b:s10+s2], $0x60, $0x38;
	[tilespmem:$0x3080] =	vst v63  }
0x15: {  	s29 =	sshrl.u32 s11, $0x1;
	_ =	swait.ge [sflag:s3], $0x60  }
0x16: {  	s13 =	ssub.s32 s11, s29;
	[sflag:s3] =	ssyncset.done $0x0  }
0x17: {  	s31 =	smax.u32 s13, $0x1;
	[sflag:s3] =	ssyncadd.s32 $0xFFFFFFA0  }
0x18: {  	[tilespmem:s7], [sflag:$0x1] =	stream.indirect.gather [hbm4b:s5+s6], $0x80, s2, s6, $0xb8;
	[tilespmem:$0x3080] =	vst v63  }
0x19: {  	p0 =	sne.s32 s31, $0x1;
	_ =	swait.ge [sflag:s8], $0x3000  }
.Ltmp0:
0x1a: {  	s30 =	sshll.u32 s12, $0x4;
	[sflag:s8] =	ssyncset.done $0x0;
	(pc) =	sbr.rel @!p0 .LBB2_2-.Ltmp0, $4  }
0x1b: {  	s11 =	sadd.s32 s14, s30;
	[sflag:s8] =	ssyncadd.s32 $0xFFFFD000  }
0x1c: {  	[hbm4b:s11+s2] =	stream.linear.scatter [tilespmem:s7], [sflag:$0x2], $0x3000, $0x38;
	[tilespmem:$0x3080] =	vst v63  }
0x1d: {  	_ =	swait.ge [sflag:s3], $0x3000  }
0x1e: {  	s12 =	sadd.s32 $0xFFFFFFFF, s31;
	[sflag:s3] =	ssyncset.done $0x0  }
.LBB2_1:
0x1f: {  	p0 =	sne.s32 s12, $0x1;
	s12 =	sadd.s32 $0xFFFFFFFF, s12;
	[sflag:s3] =	ssyncadd.s32 $0xFFFFD000  }
0x20: {  	[tilespmem:s2], [sflag:$0x2] =	stream.linear.gather [hbm4b:s4+s2], $0x60, $0x38;
	[tilespmem:$0x3080] =	vst v63  }
0x21: {  	_ =	swait.ge [sflag:s3], $0x60  }
0x22: {  	[sflag:s3] =	ssyncset.done $0x0  }
0x23: {  	[sflag:s3] =	ssyncadd.s32 $0xFFFFFFA0  }
0x24: {  	[tilespmem:s7], [sflag:$0x1] =	stream.indirect.gather [hbm4b:s5+s6], $0x80, s2, s6, $0xb8;
	[tilespmem:$0x3080] =	vst v63  }
0x25: {  	_ =	swait.ge [sflag:s8], $0x3000  }
0x26: {  	[sflag:s8] =	ssyncset.done $0x0  }
0x27: {  	[sflag:s8] =	ssyncadd.s32 $0xFFFFD000  }
0x28: {  	[hbm4b:s9+s2] =	stream.linear.scatter [tilespmem:s7], [sflag:$0x2], $0x3000, $0x38;
	[tilespmem:$0x3080] =	vst v63  }
0x29: {  	_ =	swait.ge [sflag:s3], $0x3000  }
0x2a: {  	[sflag:s3] =	ssyncset.done $0x0  }
0x2b: {  	[sflag:s3] =	ssyncadd.s32 $0xFFFFD000  }
0x2c: {  	[tilespmem:s2], [sflag:$0x2] =	stream.linear.gather [hbm4b:s10+s2], $0x60, $0x38;
	[tilespmem:$0x3080] =	vst v63  }
0x2d: {  	_ =	swait.ge [sflag:s3], $0x60  }
0x2e: {  	[sflag:s3] =	ssyncset.done $0x0  }
0x2f: {  	[sflag:s3] =	ssyncadd.s32 $0xFFFFFFA0  }
0x30: {  	[tilespmem:s7], [sflag:$0x1] =	stream.indirect.gather [hbm4b:s5+s6], $0x80, s2, s6, $0xb8;
	[tilespmem:$0x3080] =	vst v63  }
0x31: {  	_ =	swait.ge [sflag:s8], $0x3000  }
.Ltmp1:
0x32: {  	[sflag:s8] =	ssyncset.done $0x0;
	(pc) =	sbr.rel @p0 .LBB2_1-.Ltmp1, $4  }
0x33: {  	[sflag:s8] =	ssyncadd.s32 $0xFFFFD000  }
0x34: {  	[hbm4b:s11+s2] =	stream.linear.scatter [tilespmem:s7], [sflag:$0x2], $0x3000, $0x38;
	[tilespmem:$0x3080] =	vst v63  }
0x35: {  	_ =	swait.ge [sflag:s3], $0x3000  }
0x36: {  	[sflag:s3] =	ssyncset.done $0x0  }
.LBB2_2:
0x37: {  	[sflag:s3] =	ssyncadd.s32 $0xFFFFD000  }
0x38: {  	_ =	sfence.sel $0x180000  }
0x39: {  	[bflag:$0x0] =	sbarrier.arrive $0xFFFF  }
0x3a: {  	p0 =	sne.s32 s0, $0x0;
	_ =	strace $0x90000047  }
0x3b: {  	s0 =	sadd.s32 @!p0 $0x100000, s1;
	[bflag:$0x2] =	sbarrier.arrive $0xFFFF  }
0x3c: {  	[sflag:s0] =	ssyncadd.tile.s32 @!p0 $0x1;
	_ =	shalt  }
.Lfunc_end2:
_tile_overlayer_lowered:
.L_overlay_start_2:
0x3d: {  	(tag) =	ssettag $0x2  }
0x3e: {  	s0 =	rddreg [dreg:$0x0];
	s2 =	stileid.u32  }
0x3f: {  	s1 =	rddreg [dreg:$0x1];
	p0 =	sne.s32 s2, $0x0  }
0x40: {  	s3 =	rddreg [dreg:$0x2];
	[bflag:$0x3] =	sbarrier.arrive $0xFFFF;
	s2 =	simm.s32 @!p0 $0x1C02  }
0x41: {  	[timem:s3], [sflag:s2] =	dma.local @!p0 [hbm:s0], s1  }
0x42: {  	s0 =	simm.s32 @!p0 $0x2  }
0x43: {  	_ =	swait.ge @!p0 [sflag:s0], s1  }
0x44: {  	s1 =	ssub.s32 @!p0 $0x0, s1;
	[sflag:s0] =	ssyncset.done @!p0 $0x0  }
0x45: {  	[sflag:s0] =	ssyncadd.s32 @!p0 s1  }
0x46: {  	[bflag:$0x3] =	sbarrier.arrive $0xFFFF  }
0x47: {  	_ =	shalt  }

// kernel: kernel.9.cloned.1.call-start
scs
__scs_entry_jumppad:
0x0: {  	(pc) =	sbr.rel $0x88, $3  }
0x1: {  	(tag) =	ssettag $0x0;
	lr =	simm.s32 $0x1  }
0x2: {  	[smem:$0x3F8E] =	sst lr;
	_ =	strace $0xD0000000  }
0x3: {  	_ = 	snop  }
0x4: {  	_ = 	snop  }
0x5: {  	_ = 	snop  }
0x6: {  	_ = 	snop  }
0x7: {  	_ = 	snop  }
__scs_overlays_trampoline_lowered:
0x8: {  	[smem:$0x3F9D] =	sst s0  }
0x9: {  	[smem:$0x3F9E] =	sst s1  }
0xa: {  	[smem:$0x3F9F] =	sst s2  }
0xb: {  	[smem:$0x3FA0] =	sst s3  }
0xc: {  	[smem:$0x3FA1] =	sst s4  }
0xd: {  	[smem:$0x3FA2] =	sst s5  }
0xe: {  	[smem:$0x3FA3] =	sst s6  }
0xf: {  	[smem:$0x3FA4] =	sst s7  }
0x10: {  	[smem:$0x3FA5] =	sst s8  }
0x11: {  	[smem:$0x3FA6] =	sst s9;
	s0 =	simm.s32 @!p0 $0x0  }
0x12: {  	s1 =	sld [smem:$0x3F8C];
	s0 =	simm.s32 @p0 $0x1  }
0x13: {  	[smem:$0x3FA7] =	sst s0;
	s0 =	simm.s32 @!p1 $0x0  }
0x14: {  	s2 =	sld [smem:$0x3F8B];
	s0 =	simm.s32 @p1 $0x1  }
0x15: {  	[smem:$0x3FA8] =	sst s0;
	s0 =	simm.s32 @!p2 $0x0  }
0x16: {  	s3 =	sld [smem:$0x3FDB];
	s0 =	simm.s32 @p2 $0x1  }
0x17: {  	s4 =	simm.s32 $0x1BF5;
	[smem:$0x3FAA] =	sst s0  }
0x18: {  	s0 =	sld [smem:$0x3F8D];
	_ =	swait.ge [sflag:s4], $0x0  }
0x19: {  	s7 =	sld [smem:$0x3F8E]  }
0x1a: {  	s8 =	sadd.s32 $0xFFFFE003, lr  }
0x1b: {  	s9 =	sadd.s32 $0xFFFFFEF7, lr;
	s5 =	simm.s32 $0xFFFFFFFF;
	p2 =	slt.u32 s8, $0xFFFFF086  }
0x1c: {  	p1 =	slt.u32 s9, $0xF7A;
	s5 =	simm.s32 @!p2 $0x0  }
0x1d: {  	s5 =	simm.s32 @p1 $0x1;
	p0 =	seq.s32 s7, s2  }
0x1e: {  	s7 =	smul.u32 @!p0 $0xF7A, s2;
	p2 =	seq.s32 @!p0 s5, $0x0  }
0x1f: {  	s9 =	smul.u32 $0xF7A, s1;
	s8 =	simm.s32 @!p0 $0x1BF5;
	p2 =	por !p2, p0  }
0x20: {  	[sflag:s8] =	ssyncset.s32 @!p0 $0xFFFFF086;
	s6 =	sadd.s32 @!p0 s3, s7;
	s7 =	simm.s32 @!p0 $0x108  }
0x21: {  	s3 =	sadd.s32 s3, s9;
	s6 =	sadd.s32 @!p0 $0x88, s6;
	s7 =	simm.s32 @p2 $0x1082  }
0x22: {  	[simem:s7], [sflag:s8] =	dma.local @!p0 [hbm:s6], $0xF7A  }
0x23: {  	s9 =	sor.u32 $0xD0000000, s2;
	s6 =	simm.s32 $0x108;
	_ =	swait.ge @!p0 [sflag:s8], $0x0  }
0x24: {  	s3 =	sadd.s32 $0x88, s3;
	s6 =	simm.s32 @!p1 $0x1082;
	[sflag:s4] =	ssyncset.s32 $0xFFFFF086  }
0x25: {  	[simem:s6], [sflag:s4] =	dma.local [hbm:s3], $0xF7A  }
0x26: {  	[smem:$0x3F8E] =	sst s1;
	(tag) =	ssettag s2;
	_ =	strace s9  }
0x27: {  	s1 =	sld [smem:$0x3F9E]  }
0x28: {  	s2 =	sld [smem:$0x3F9F]  }
0x29: {  	s4 =	sld [smem:$0x3FA1]  }
0x2a: {  	p0 =	seq.s32 s5, $0x0;
	s5 =	sld [smem:$0x3FA2]  }
0x2b: {  	s6 =	sld [smem:$0x3FA3]  }
0x2c: {  	s7 =	sld [smem:$0x3FA4]  }
0x2d: {  	s3 =	simm.s32 $0x108;
	s8 =	sld [smem:$0x3FA5]  }
0x2e: {  	s3 =	simm.s32 @!p0 $0x1082;
	s9 =	sld [smem:$0x3FA6]  }
0x2f: {  	lr =	sadd.s32 s0, s3;
	s0 =	sld [smem:$0x3F9D]  }
0x30: {  	s3 =	sld [smem:$0x3FA0]  }
0x31: {  	[smem:$0x3FA9] =	sst s10  }
0x32: {  	s10 =	sld [smem:$0x3FA7];
	_ =	sdelay $0x3  }
0x33: {  	p0 =	seq.s32 s10, $0x1;
	s10 =	sld [smem:$0x3FA9];
	_ =	sdelay $0x3  }
0x34: {  	[smem:$0x3FA9] =	sst s10  }
0x35: {  	s10 =	sld [smem:$0x3FA8];
	_ =	sdelay $0x3  }
0x36: {  	p1 =	seq.s32 s10, $0x1;
	s10 =	sld [smem:$0x3FA9];
	_ =	sdelay $0x3  }
0x37: {  	[smem:$0x3FA9] =	sst s10  }
0x38: {  	s10 =	sld [smem:$0x3FAA]  }
0x39: {  	_ = 	snop;
	(pc) =	sbr.ind lr, $3  }
0x3a: {  	_ = 	snop  }
0x3b: {  	_ = 	snop  }
0x3c: {  	p2 =	seq.s32 s10, $0x1;
	s10 =	sld [smem:$0x3FA9]  }
0x3d: {  	_ =	shalt  }
0x3e: {  	_ =	shalt  }
0x3f: {  	_ =	shalt  }
0x40: {  	_ =	shalt  }
0x41: {  	_ =	shalt  }
0x42: {  	_ =	shalt  }
0x43: {  	_ =	shalt  }
0x44: {  	_ =	shalt  }
0x45: {  	_ =	shalt  }
0x46: {  	_ =	shalt  }
0x47: {  	_ =	shalt  }
0x48: {  	_ =	shalt  }
0x49: {  	_ =	shalt  }
0x4a: {  	_ =	shalt  }
0x4b: {  	_ =	shalt  }
0x4c: {  	_ =	shalt  }
0x4d: {  	_ =	shalt  }
0x4e: {  	_ =	shalt  }
0x4f: {  	_ =	shalt  }
0x50: {  	_ =	shalt  }
0x51: {  	_ =	shalt  }
0x52: {  	_ =	shalt  }
0x53: {  	_ =	shalt  }
0x54: {  	_ =	shalt  }
0x55: {  	_ =	shalt  }
0x56: {  	_ =	shalt  }
0x57: {  	_ =	shalt  }
0x58: {  	_ =	shalt  }
0x59: {  	_ =	shalt  }
0x5a: {  	_ =	shalt  }
0x5b: {  	_ =	shalt  }
0x5c: {  	_ =	shalt  }
0x5d: {  	_ =	shalt  }
0x5e: {  	_ =	shalt  }
0x5f: {  	_ =	shalt  }
0x60: {  	_ =	shalt  }
0x61: {  	_ =	shalt  }
0x62: {  	_ =	shalt  }
0x63: {  	_ =	shalt  }
0x64: {  	_ =	shalt  }
0x65: {  	_ =	shalt  }
0x66: {  	_ =	shalt  }
0x67: {  	_ =	shalt  }
0x68: {  	_ =	shalt  }
0x69: {  	_ =	shalt  }
0x6a: {  	_ =	shalt  }
0x6b: {  	_ =	shalt  }
0x6c: {  	_ =	shalt  }
0x6d: {  	_ =	shalt  }
0x6e: {  	_ =	shalt  }
0x6f: {  	_ =	shalt  }
0x70: {  	_ =	shalt  }
0x71: {  	_ =	shalt  }
0x72: {  	_ =	shalt  }
0x73: {  	_ =	shalt  }
0x74: {  	_ =	shalt  }
0x75: {  	_ =	shalt  }
0x76: {  	_ =	shalt  }
0x77: {  	_ =	shalt  }
0x78: {  	_ =	shalt  }
0x79: {  	_ =	shalt  }
0x7a: {  	_ =	shalt  }
0x7b: {  	_ =	shalt  }
0x7c: {  	_ =	shalt  }
0x7d: {  	_ =	shalt  }
0x7e: {  	_ =	shalt  }
0x7f: {  	_ =	shalt  }
0x80: {  	_ =	shalt  }
0x81: {  	_ =	shalt  }
0x82: {  	_ =	shalt  }
0x83: {  	_ =	shalt  }
0x84: {  	_ =	shalt  }
0x85: {  	_ =	shalt  }
0x86: {  	_ =	shalt  }
0x87: {  	_ =	shalt  }
.Lfunc_end0:
.L_simem_size_0:
called_computation_lowered:
.L_overlay_start_0:
0x88: {  	s2 =	sld [smem:$0x3FD9]  }
0x89: {  	s3 =	sld [smem:$0x3FFE];
	_ =	sdelay $0x1  }
0x8a: {  	s1 =	srdreg.scid  }
0x8b: {  	s0 =	sand.u32 $0x1, s1  }
0x8c: {  	s17 =	sshll.u32 s0, $0xA;
	s2 =	sadd.s32 s3, s2  }
0x8d: {  	s2 =	sadd.s32 s2, s17  }
0x8e: {  	[smem:$0x3FB5] =	sst s2  }
0x8f: {  	_ = 	snop  }
0x90: {  	(tm) =	ssettm $0x1  }
0x91: {  	s18 =	sld [smem:$0x3FFB];
	_ =	sdelay $0x3  }
0x92: {  	_ =	strace s18  }
0x93: {  	s2 =	sld [smem:$0x3FFC];
	_ =	sdelay $0x3  }
0x94: {  	_ =	strace s2  }
0x95: {  	s2 =	sld [smem:$0x3FFD];
	_ =	sdelay $0x3  }
0x96: {  	_ =	strace s2  }
0x97: {  	_ =	strace $0x8FFFFFFF  }
0x98: {  	s19 =	sld [smem:$0x3FDB];
	_ =	sdelay $0x1  }
0x99: {  	s20 =	simm.s32 $_scs_section_size  }
0x9a: {  	s4 =	simm.s32 $_size__tile_overlayer_lowered;
	s5 =	simm.s32 $_tile_overlayer_lowered  }
0x9b: {  	s6 =	simm.s32 $0x1BFF;
	s21 =	sshll.u32 s5, $0x1;
	s3 =	sadd.s32 s20, s19  }
0x9c: {  	s22 =	simm.s32 $0x0;
	s4 =	sshll.u32 s4, $0x1;
	s5 =	sadd.s32 s21, s3  }
0x9d: {  	[timem:s22], [sflag:s6] =	dma.local [hbm:s5], s4  }
0x9e: {  	_ =	swait.ge [sflag:s6], s4  }
0x9f: {  	s4 =	ssub.s32 $0x0, s4;
	[sflag:s6] =	ssyncset.done $0x0  }
0xa0: {  	[sflag:s6] =	ssyncadd.s32 s4;
	_ =	sdelay $0x1  }
0xa1: {  	s23 =	simm.s32 $0x1B8B  }
0xa2: {  	_ =	swait.ge [sflag:s23], $0x1  }
0xa3: {  	[sflag:s23] =	ssyncset.done $0x0  }
0xa4: {  	[sflag:s23] =	ssyncadd.s32 $0xFFFFFFFF  }
0xa5: {  	s4 =	sld [smem:$0x0]  }
0xa6: {  	s5 =	sand.u32 $0xFFFFFFFE, s1  }
0xa7: {  	p0 =	sne.s32 s1, s5  }
0xa8: {  	s5 =	sshll.u32 @p0 s5, $0xE  }
0xa9: {  	s5 =	sadd.s32 @p0 $0x11B8D, s5;
	s6 =	sshll.u32 @p0 s4, $0x11  }
0xaa: {  	s5 =	sor.u32 @p0 s6, s5  }
0xab: {  	[sflag:s5] =	ssyncadd.remote.s32 @p0 $0x1;
	_ =	sdelay $0x1  }
0xac: {  	s5 =	simm.s32 @p0 $0x1B8D  }
0xad: {  	_ =	swait.eq @p0 [sflag:s5], $0x1  }
0xae: {  	[sflag:s5] =	ssyncadd.s32 @p0 $0xFFFFFFFF  }
0xaf: {  	s6 =	sshll.u32 @!p0 s1, $0xE  }
0xb0: {  	s6 =	sor.u32 @!p0 $0x4000, s6;
	s5 =	simm.s32 @!p0 $0x1B8D  }
0xb1: {  	s4 =	sshll.u32 @!p0 s4, $0x11;
	s6 =	sadd.s32 @!p0 $0x11B8D, s6;
	_ =	swait.eq @!p0 [sflag:s5], $0x1  }
0xb2: {  	s4 =	sor.u32 @!p0 s4, s6;
	[sflag:s5] =	ssyncadd.s32 @!p0 $0xFFFFFFFF  }
0xb3: {  	s25 =	simm.s32 $0x1B8E;
	s24 =	sld [smem:$0x3FFE];
	[sflag:s4] =	ssyncadd.remote.s32 @!p0 $0x1  }
0xb4: {  	s26 =	simm.s32 $execute0_lowered;
	[smem:$0x3FD2] =	sst s25  }
0xb5: {  	s5 =	sshll.u32 s26, $0x1;
	_ =	strace $0x80000049;
	[dreg:$0x1] =	wrdreg $0xFFFFFFFF  }
0xb6: {  	s28 =	simm.s32 $_size_execute0_lowered;
	s3 =	sadd.s32 s3, s5;
	[dreg:$0x0] =	wrdreg $0x0  }
0xb7: {  	s5 =	sshll.u32 s28, $0x1;
	[dreg:$0x2] =	wrdreg s3  }
0xb8: {  	[dreg:$0x3] =	wrdreg s5  }
0xb9: {  	[dreg:$0x4] =	wrdreg $0xC0  }
0xba: {  	_ =	task [dreg:s22], $0x5FFFF  }
0xbb: {  	[dreg:$0x1] =	wrdreg $0xFFFFFFFF  }
0xbc: {  	[dreg:$0x0] =	wrdreg $0x60  }
0xbd: {  	[dreg:$0x2] =	wrdreg s24  }
0xbe: {  	[dreg:$0x3] =	wrdreg $0x9  }
0xbf: {  	_ =	task.clear_ibuf [dreg:s22], $0x4FFFF;
	_ =	strace $0x90000049  }
0xc0: {  	s29 =	simm.s32 $0x9;
	_ =	strace $0x8000004B  }
0xc1: {  	_ =	swait.ge [sflag:s29], $0x1  }
0xc2: {  	[sflag:s29] =	ssyncadd.s32 $0xFFFFFFFF  }
0xc3: {  	_ =	strace $0x9000004B  }
0xc4: {  	_ =	sfence  }
0xc5: {  	s30 =	sld [smem:$0x0];
	_ =	sdelay $0x2  }
0xc6: {  	s31 =	sshll.u32 s1, $0xD;
	s1 =	sshrl.u32 s1, $0x2  }
0xc7: {  	s4 =	sand.u32 $0x4000, s31;
	s1 =	sadd.s32 s1, s30  }
0xc8: {  	s0 =	sor.u32 s4, s0;
	s1 =	sshll.u32 s1, $0x11  }
0xc9: {  	s0 =	sor.u32 s1, s0  }
0xca: {  	s0 =	sadd.s32 $0x8F2B, s0  }
0xcb: {  	[sflag:s0] =	ssyncadd.remote.s32 $0x1  }
0xcc: {  	_ =	sfence.sel $0xFFFF  }
0xcd: {  	[dreg:$0x0] =	wrdreg $0xFFFFFFFF;
	(pc) =	sbr.abs _section_cstart, $3  }
0xce: {  	[dreg:$0x1] =	wrdreg $0xFFFFFFFF  }
0xcf: {  	_ =	task.clear_ibuf [dreg:s22], $0x2FFFF;
	_ =	strace $0x9FFFFFFF  }
0xd0: {  	(tm) =	ssettm $0x7FFFFFFF  }
0xd1: {  	_ =	shalt  }
tec
execute0_lowered:
.L_overlay_start_1:
0x0: {  	(tag) =	ssettag $0x1  }
0x1: {  	s1 =	srdreg.scid;
	s0 =	stileid.u32  }
0x2: {  	s14 =	sand.u32 $0x1, s1;
	s28 =	sshll.u32 s0, $0x1  }
0x3: {  	s9 =	sor.u32 s14, s28  }
0x4: {  	s11 =	rddreg [dreg:$0x0];
	s12 =	smul.u32 $0xC0, s9  }
0x5: {  	s2 =	simm.s32 $0x0;
	s1 =	rddreg [dreg:$0x1]  }
0x6: {  	[smem:$0x7FF] =	sst s2;
	s13 =	sadd.s32 $0x6400, s11;
	s3 =	sshrl.u32 s12, $0x3  }
0x7: {  	_ =	strace $0x8000004A;
	s4 =	sadd.s32 s13, s3;
	s3 =	simm.s32 $0x2  }
0x8: {  	[tilespmem:s2], [sflag:$0x2] =	stream.linear.gather [hbm4b:s4+s2], $0x60, $0x38;
	[tilespmem:$0x3080] =	vst v63  }
0x9: {  	_ =	swait.ge [sflag:s3], $0x60  }
0xa: {  	s6 =	simm.s32 $0x60;
	s7 =	simm.s32 $0x80;
	[sflag:s3] =	ssyncset.done $0x0  }
0xb: {  	s8 =	simm.s32 $0x1;
	s5 =	sadd.s32 $0x2DA00, s11;
	[sflag:s3] =	ssyncadd.s32 $0xFFFFFFA0  }
0xc: {  	[tilespmem:s7], [sflag:$0x1] =	stream.indirect.gather [hbm4b:s5+s6], $0x80, s2, s6, $0xb8;
	[tilespmem:$0x3080] =	vst v63  }
0xd: {  	s15 =	smul.u32 $0xC00, s9;
	_ =	swait.ge [sflag:s8], $0x3000  }
0xe: {  	s16 =	sadd.s32 $0x93E00, s11;
	[sflag:s8] =	ssyncset.done $0x0  }
0xf: {  	s9 =	sadd.s32 s16, s15;
	[sflag:s8] =	ssyncadd.s32 $0xFFFFD000  }
0x10: {  	[hbm4b:s9+s2] =	stream.linear.scatter [tilespmem:s7], [sflag:$0x2], $0x3000, $0x38;
	[tilespmem:$0x3080] =	vst v63  }
0x11: {  	_ =	swait.ge [sflag:s3], $0x3000  }
0x12: {  	[sflag:s3] =	ssyncset.done $0x0  }
0x13: {  	s10 =	sadd.s32 $0x6800, s11;
	[sflag:s3] =	ssyncadd.s32 $0xFFFFD000  }
0x14: {  	[tilespmem:s7], [sflag:$0x1] =	stream.indirect.gather [hbm4b:s10+s6], $0x80, s2, s6, $0xb8;
	[tilespmem:$0x3080] =	vst v63  }
0x15: {  	_ =	swait.ge [sflag:s8], $0x3000  }
0x16: {  	s17 =	sadd.s32 $0xABE00, s11;
	[sflag:s8] =	ssyncset.done $0x0  }
0x17: {  	s11 =	sadd.s32 s17, s15;
	[sflag:s8] =	ssyncadd.s32 $0xFFFFD000  }
0x18: {  	[hbm4b:s11+s2] =	stream.linear.scatter [tilespmem:s7], [sflag:$0x2], $0x3000, $0x38;
	[tilespmem:$0x3080] =	vst v63  }
0x19: {  	s29 =	sadd.s32 $0x60, s12;
	_ =	swait.ge [sflag:s3], $0x3000  }
0x1a: {  	s12 =	sshrl.u32 s29, $0x3;
	[sflag:s3] =	ssyncset.done $0x0  }
0x1b: {  	s12 =	sadd.s32 s13, s12;
	[sflag:s3] =	ssyncadd.s32 $0xFFFFD000  }
0x1c: {  	[tilespmem:s2], [sflag:$0x2] =	stream.linear.gather [hbm4b:s12+s2], $0x60, $0x38;
	[tilespmem:$0x3080] =	vst v63  }
0x1d: {  	_ =	swait.ge [sflag:s3], $0x60  }
0x1e: {  	[sflag:s3] =	ssyncset.done $0x0  }
0x1f: {  	[sflag:s3] =	ssyncadd.s32 $0xFFFFFFA0  }
0x20: {  	[tilespmem:s7], [sflag:$0x1] =	stream.indirect.gather [hbm4b:s5+s6], $0x80, s2, s6, $0xb8;
	[tilespmem:$0x3080] =	vst v63  }
0x21: {  	_ =	swait.ge [sflag:s8], $0x3000  }
0x22: {  	s15 =	sshll.u32 s29, $0x4;
	[sflag:s8] =	ssyncset.done $0x0  }
0x23: {  	s14 =	ssub.s32 $0x2, s14;
	s13 =	sadd.s32 s16, s15;
	[sflag:s8] =	ssyncadd.s32 $0xFFFFD000  }
0x24: {  	[hbm4b:s13+s2] =	stream.linear.scatter [tilespmem:s7], [sflag:$0x2], $0x3000, $0x38;
	[tilespmem:$0x3080] =	vst v63  }
0x25: {  	s30 =	sshrl.u32 s14, $0x1;
	_ =	swait.ge [sflag:s3], $0x3000  }
0x26: {  	s16 =	ssub.s32 s14, s30;
	[sflag:s3] =	ssyncset.done $0x0  }
0x27: {  	s31 =	smax.u32 s16, $0x1;
	[sflag:s3] =	ssyncadd.s32 $0xFFFFD000  }
0x28: {  	[tilespmem:s7], [sflag:$0x1] =	stream.indirect.gather [hbm4b:s10+s6], $0x80, s2, s6, $0xb8;
	[tilespmem:$0x3080] =	vst v63  }
0x29: {  	p0 =	sne.s32 s31, $0x1;
	_ =	swait.ge [sflag:s8], $0x3000  }
.Ltmp0:
0x2a: {  	[sflag:s8] =	ssyncset.done $0x0;
	(pc) =	sbr.rel @!p0 .LBB2_2-.Ltmp0, $4  }
0x2b: {  	s14 =	sadd.s32 s17, s15;
	[sflag:s8] =	ssyncadd.s32 $0xFFFFD000  }
0x2c: {  	[hbm4b:s14+s2] =	stream.linear.scatter [tilespmem:s7], [sflag:$0x2], $0x3000, $0x38;
	[tilespmem:$0x3080] =	vst v63  }
0x2d: {  	_ =	swait.ge [sflag:s3], $0x3000  }
0x2e: {  	s15 =	sadd.s32 $0xFFFFFFFF, s31;
	[sflag:s3] =	ssyncset.done $0x0  }
.LBB2_1:
0x2f: {  	p0 =	sne.s32 s15, $0x1;
	s15 =	sadd.s32 $0xFFFFFFFF, s15;
	[sflag:s3] =	ssyncadd.s32 $0xFFFFD000  }
0x30: {  	[tilespmem:s2], [sflag:$0x2] =	stream.linear.gather [hbm4b:s4+s2], $0x60, $0x38;
	[tilespmem:$0x3080] =	vst v63  }
0x31: {  	_ =	swait.ge [sflag:s3], $0x60  }
0x32: {  	[sflag:s3] =	ssyncset.done $0x0  }
0x33: {  	[sflag:s3] =	ssyncadd.s32 $0xFFFFFFA0  }
0x34: {  	[tilespmem:s7], [sflag:$0x1] =	stream.indirect.gather [hbm4b:s5+s6], $0x80, s2, s6, $0xb8;
	[tilespmem:$0x3080] =	vst v63  }
0x35: {  	_ =	swait.ge [sflag:s8], $0x3000  }
0x36: {  	[sflag:s8] =	ssyncset.done $0x0  }
0x37: {  	[sflag:s8] =	ssyncadd.s32 $0xFFFFD000  }
0x38: {  	[hbm4b:s9+s2] =	stream.linear.scatter [tilespmem:s7], [sflag:$0x2], $0x3000, $0x38;
	[tilespmem:$0x3080] =	vst v63  }
0x39: {  	_ =	swait.ge [sflag:s3], $0x3000  }
0x3a: {  	[sflag:s3] =	ssyncset.done $0x0  }
0x3b: {  	[sflag:s3] =	ssyncadd.s32 $0xFFFFD000  }
0x3c: {  	[tilespmem:s7], [sflag:$0x1] =	stream.indirect.gather [hbm4b:s10+s6], $0x80, s2, s6, $0xb8;
	[tilespmem:$0x3080] =	vst v63  }
0x3d: {  	_ =	swait.ge [sflag:s8], $0x3000  }
0x3e: {  	[sflag:s8] =	ssyncset.done $0x0  }
0x3f: {  	[sflag:s8] =	ssyncadd.s32 $0xFFFFD000  }
0x40: {  	[hbm4b:s11+s2] =	stream.linear.scatter [tilespmem:s7], [sflag:$0x2], $0x3000, $0x38;
	[tilespmem:$0x3080] =	vst v63  }
0x41: {  	_ =	swait.ge [sflag:s3], $0x3000  }
0x42: {  	[sflag:s3] =	ssyncset.done $0x0  }
0x43: {  	[sflag:s3] =	ssyncadd.s32 $0xFFFFD000  }
0x44: {  	[tilespmem:s2], [sflag:$0x2] =	stream.linear.gather [hbm4b:s12+s2], $0x60, $0x38;
	[tilespmem:$0x3080] =	vst v63  }
0x45: {  	_ =	swait.ge [sflag:s3], $0x60  }
0x46: {  	[sflag:s3] =	ssyncset.done $0x0  }
0x47: {  	[sflag:s3] =	ssyncadd.s32 $0xFFFFFFA0  }
0x48: {  	[tilespmem:s7], [sflag:$0x1] =	stream.indirect.gather [hbm4b:s5+s6], $0x80, s2, s6, $0xb8;
	[tilespmem:$0x3080] =	vst v63  }
0x49: {  	_ =	swait.ge [sflag:s8], $0x3000  }
0x4a: {  	[sflag:s8] =	ssyncset.done $0x0  }
0x4b: {  	[sflag:s8] =	ssyncadd.s32 $0xFFFFD000  }
0x4c: {  	[hbm4b:s13+s2] =	stream.linear.scatter [tilespmem:s7], [sflag:$0x2], $0x3000, $0x38;
	[tilespmem:$0x3080] =	vst v63  }
0x4d: {  	_ =	swait.ge [sflag:s3], $0x3000  }
0x4e: {  	[sflag:s3] =	ssyncset.done $0x0  }
0x4f: {  	[sflag:s3] =	ssyncadd.s32 $0xFFFFD000  }
0x50: {  	[tilespmem:s7], [sflag:$0x1] =	stream.indirect.gather [hbm4b:s10+s6], $0x80, s2, s6, $0xb8;
	[tilespmem:$0x3080] =	vst v63  }
0x51: {  	_ =	swait.ge [sflag:s8], $0x3000  }
.Ltmp1:
0x52: {  	[sflag:s8] =	ssyncset.done $0x0;
	(pc) =	sbr.rel @p0 .LBB2_1-.Ltmp1, $4  }
0x53: {  	[sflag:s8] =	ssyncadd.s32 $0xFFFFD000  }
0x54: {  	[hbm4b:s14+s2] =	stream.linear.scatter [tilespmem:s7], [sflag:$0x2], $0x3000, $0x38;
	[tilespmem:$0x3080] =	vst v63  }
0x55: {  	_ =	swait.ge [sflag:s3], $0x3000  }
0x56: {  	[sflag:s3] =	ssyncset.done $0x0  }
.LBB2_2:
0x57: {  	[sflag:s3] =	ssyncadd.s32 $0xFFFFD000  }
0x58: {  	_ =	sfence.sel $0x180000  }
0x59: {  	[bflag:$0x0] =	sbarrier.arrive $0xFFFF  }
0x5a: {  	p0 =	sne.s32 s0, $0x0;
	_ =	strace $0x9000004A  }
0x5b: {  	s0 =	sadd.s32 @!p0 $0x100000, s1;
	[bflag:$0x2] =	sbarrier.arrive $0xFFFF  }
0x5c: {  	[sflag:s0] =	ssyncadd.tile.s32 @!p0 $0x1;
	_ =	shalt  }
.Lfunc_end2:
_tile_overlayer_lowered:
.L_overlay_start_2:
0x5d: {  	(tag) =	ssettag $0x2  }
0x5e: {  	s0 =	rddreg [dreg:$0x0];
	s2 =	stileid.u32  }
0x5f: {  	s1 =	rddreg [dreg:$0x1];
	p0 =	sne.s32 s2, $0x0  }
0x60: {  	s3 =	rddreg [dreg:$0x2];
	[bflag:$0x3] =	sbarrier.arrive $0xFFFF;
	s2 =	simm.s32 @!p0 $0x1C02  }
0x61: {  	[timem:s3], [sflag:s2] =	dma.local @!p0 [hbm:s0], s1  }
0x62: {  	s0 =	simm.s32 @!p0 $0x2  }
0x63: {  	_ =	swait.ge @!p0 [sflag:s0], s1  }
0x64: {  	s1 =	ssub.s32 @!p0 $0x0, s1;
	[sflag:s0] =	ssyncset.done @!p0 $0x0  }
0x65: {  	[sflag:s0] =	ssyncadd.s32 @!p0 s1  }
0x66: {  	[bflag:$0x3] =	sbarrier.arrive $0xFFFF  }
0x67: {  	_ =	shalt  }

</sc_bundles>
